<compile_context>
chip_gen: v7x
topology: tpu7x:2x2x1
jax: 0.10.2.dev20260603
libtpu: 0.0.44.dev20260713+nightly
codegen_flags: <defaults>
</compile_context>

<pallas_src>
import functools

import jax
import jax.numpy as jnp
from jax import lax
from jax.experimental import pallas as pl
from jax.experimental.pallas import tpu as pltpu
from jax.experimental.pallas import tpu_sc as plsc

_NOBJ = 50
_NSLOT = 128


def _sc_match(boxes_p, cls_p, prior_p):
    B = boxes_p.shape[0]
    mesh = plsc.VectorSubcoreMesh(core_axis_name="c", subcore_axis_name="s")
    out_type = (
        jax.ShapeDtypeStruct((B, 1, _NSLOT), jnp.int32),
        jax.ShapeDtypeStruct((B, 1, _NSLOT), jnp.float32),
        jax.ShapeDtypeStruct((B, 1, _NSLOT), jnp.float32),
    )
    scratch = [
        pltpu.VMEM((224,), jnp.int32),
        pltpu.VMEM((64,), jnp.int32),
        pltpu.VMEM((208,), jnp.float32),
        pltpu.VMEM((_NSLOT,), jnp.int32),
        pltpu.VMEM((_NSLOT,), jnp.float32),
        pltpu.VMEM((_NSLOT,), jnp.float32),
    ]

    @functools.partial(
        pl.kernel, out_type=out_type, mesh=mesh, scratch_types=scratch,
        compiler_params=pltpu.CompilerParams(needs_layout_passes=False))
    def k(boxes_hbm, cls_hbm, prior_hbm, ocls, oox, ooy,
          box_v, cls_v, prior_v, gcls_v, gox_v, goy_v):
        wid = lax.axis_index("s") * 2 + lax.axis_index("c")

        @pl.when(wid < B)
        def _():
            b = wid
            pltpu.sync_copy(boxes_hbm.at[b], box_v)
            pltpu.sync_copy(cls_hbm.at[b], cls_v)
            pltpu.sync_copy(prior_hbm, prior_v)

            iota = lax.broadcasted_iota(jnp.int32, (16,), 0)
            zero_i = jnp.zeros((16,), jnp.int32)
            zero_f = jnp.zeros((16,), jnp.float32)
            for i in range(_NSLOT // 16):
                gcls_v[pl.ds(i * 16, 16)] = zero_i
                gox_v[pl.ds(i * 16, 16)] = zero_f
                goy_v[pl.ds(i * 16, 16)] = zero_f

            ks, cs, oxs, oys = [], [], [], []
            for c in range(4):
                ridx = jnp.minimum(iota + c * 16, _NOBJ - 1) * 4
                x0 = plsc.load_gather(box_v, [ridx])
                y0 = plsc.load_gather(box_v, [ridx + 1])
                x1 = plsc.load_gather(box_v, [ridx + 2])
                y1 = plsc.load_gather(box_v, [ridx + 3])
                cx = lax.shift_right_arithmetic(x0 + x1, 1)
                cy = lax.shift_right_arithmetic(y0 + y1, 1)
                kc = (lax.shift_right_arithmetic(cy, 5) * 10
                      + lax.shift_right_arithmetic(cx, 5))
                px = plsc.load_gather(prior_v, [kc * 2])
                py = plsc.load_gather(prior_v, [kc * 2 + 1])
                ks.append(kc)
                oxs.append(cx.astype(jnp.float32) - px)
                oys.append(cy.astype(jnp.float32) - py)
                cs.append(cls_v[pl.ds(c * 16, 16)])

            for n in range(_NOBJ):
                c, l = divmod(n, 16)
                m = iota == l
                plsc.store_scatter(gcls_v, [ks[c]], cs[c], mask=m)
                plsc.store_scatter(gox_v, [ks[c]], oxs[c], mask=m)
                plsc.store_scatter(goy_v, [ks[c]], oys[c], mask=m)

            pltpu.sync_copy(gcls_v, ocls.at[b, 0])
            pltpu.sync_copy(gox_v, oox.at[b, 0])
            pltpu.sync_copy(goy_v, ooy.at[b, 0])

    return k(boxes_p, cls_p, prior_p)


def _tc_loss(pred_r, pox, poy, gcls, gox, goy, interpret=False):
    B, NC, P = pred_r.shape

    def body(pred_ref, pox_ref, poy_ref, cls_ref, ox_ref, oy_ref,
             loc_ref, conf_ref, acc_ref):
        b = pl.program_id(0)
        x = pred_ref[0]
        e = jnp.exp(x)
        se = jax.lax.dot_general(
            jnp.ones((1, NC), jnp.float32), e, (((1,), (0,)), ((), ())),
            preferred_element_type=jnp.float32)
        r = e[0:1, :] / se

        col = lax.broadcasted_iota(jnp.int32, (1, P), 1)
        m1 = jnp.min(r)
        i1 = jnp.min(jnp.where(r == m1, col, P))
        r2 = jnp.where(col == i1, jnp.float32(jnp.inf), r)
        m2 = jnp.min(r2)
        i2 = jnp.min(jnp.where(r2 == m2, col, P))

        g2 = cls_ref[0]
        pos = g2 > 0
        posf = jnp.where(pos, 1.0, 0.0)
        npos_b = jnp.sum(posf)

        loc_b = jnp.sum(((ox_ref[0] - pox_ref[0]) ** 2
                         + (oy_ref[0] - poy_ref[0]) ** 2) * posf)

        xs = x[:, 0:_NSLOT]
        rowi = lax.broadcasted_iota(jnp.int32, (NC, 1), 0)
        onehot = jnp.where(rowi == g2, 1.0, 0.0)
        picked = jnp.sum(xs * onehot, axis=0, keepdims=True)
        lse_s = jnp.log(se[:, 0:_NSLOT])
        ce_b = jnp.sum((lse_s - picked) * posf)

        lane = lax.broadcasted_iota(jnp.int32, (1, _NSLOT), 1)
        isp1 = jnp.sum(jnp.where((lane == i1) & pos, 1.0, 0.0)) > 0.0
        isp2 = jnp.sum(jnp.where((lane == i2) & pos, 1.0, 0.0)) > 0.0
        ce_b = (ce_b + jnp.where(isp1, 0.0, -jnp.log(m1))
                + jnp.where(isp2, 0.0, -jnp.log(m2)))
        nsel_b = npos_b + jnp.where(isp1, 0.0, 1.0) + jnp.where(isp2, 0.0, 1.0)

        @pl.when(b == 0)
        def _():
            acc_ref[0] = loc_b
            acc_ref[1] = npos_b
            acc_ref[2] = ce_b
            acc_ref[3] = nsel_b

        @pl.when(b > 0)
        def _():
            acc_ref[0] += loc_b
            acc_ref[1] += npos_b
            acc_ref[2] += ce_b
            acc_ref[3] += nsel_b

        loc_ref[0, 0] = acc_ref[0] / (jnp.maximum(acc_ref[1], 1.0) * 2.0)
        conf_ref[0, 0] = acc_ref[2] / jnp.maximum(acc_ref[3], 1.0)

    return pl.pallas_call(
        body,
        grid=(B,),
        in_specs=[
            pl.BlockSpec((1, NC, P), lambda b: (b, 0, 0)),
            pl.BlockSpec((1, 1, _NSLOT), lambda b: (b, 0, 0)),
            pl.BlockSpec((1, 1, _NSLOT), lambda b: (b, 0, 0)),
            pl.BlockSpec((1, 1, _NSLOT), lambda b: (b, 0, 0)),
            pl.BlockSpec((1, 1, _NSLOT), lambda b: (b, 0, 0)),
            pl.BlockSpec((1, 1, _NSLOT), lambda b: (b, 0, 0)),
        ],
        out_specs=[
            pl.BlockSpec(memory_space=pltpu.SMEM),
            pl.BlockSpec(memory_space=pltpu.SMEM),
        ],
        out_shape=[
            jax.ShapeDtypeStruct((1, 1), jnp.float32),
            jax.ShapeDtypeStruct((1, 1), jnp.float32),
        ],
        scratch_shapes=[pltpu.SMEM((4,), jnp.float32)],
        interpret=interpret,
    )(pred_r, pox, poy, gcls, gox, goy)


def kernel(prediction_3d, boxes, classids, priorBox_2d):
    B = prediction_3d.shape[0]
    boxes_p = jnp.pad(boxes.astype(jnp.int32),
                      ((0, 0), (0, 6), (0, 0))).reshape(B, 224)
    cls_p = jnp.pad(classids.astype(jnp.int32), ((0, 0), (0, 14)))
    prior_p = priorBox_2d[:104].reshape(208)
    gcls, gox, goy = _sc_match(boxes_p, cls_p, prior_p)
    pred_r = jnp.transpose(prediction_3d[:, :, 2:], (0, 2, 1))
    po = prediction_3d[:, :_NSLOT, :2]
    pox = po[:, :, 0].reshape(B, 1, _NSLOT)
    poy = po[:, :, 1].reshape(B, 1, _NSLOT)
    loc, conf = _tc_loss(pred_r, pox, poy, gcls, gox, goy)
    return (loc[0, 0], conf[0, 0])

# --- scband reference (transcript-rebuilt; emitter-appended) ---
"""Pipeline reference for scband-multi-box-loss-2937757631029 (READ-ONLY COPY).

The authoritative reference and input builder live on the scoring server;
editing this copy changes nothing except your own understanding.
"""

import jax, jax.numpy as jnp
import numpy as np


def setup_inputs(seed: int = 0) -> dict:
    key = jax.random.key(seed)
    k1, k2, k3 = jax.random.split(key, 3)
    B, P, C, NOBJ = 8, 20000, 21, 50
    prediction_3d = jax.random.normal(k1, (B, P, 2 + C), dtype=jnp.float32)
    boxes = jax.random.randint(k2, (B, NOBJ, 4), 0, 320)
    classids = jax.random.randint(k3, (B, NOBJ), 0, 21)
    # priorBox_2d: constructor tensor of the torch module; grid anchors (cx, cy), 10 cols x (P//10) rows, stride 32
    ii, jj = jnp.meshgrid(jnp.arange(P // 10), jnp.arange(10), indexing='ij')
    priorBox_2d = jnp.stack([jj * 32 + 16, ii * 32 + 16], axis=-1).reshape(P, 2).astype(jnp.float32)
    return {"prediction_3d": prediction_3d, "boxes": boxes, "classids": classids, "priorBox_2d": priorBox_2d}


def reference(prediction_3d, boxes, classids, priorBox_2d):
    B, P, _ = prediction_3d.shape
    p_offset_3d = prediction_3d[:, :, :2]
    p_confidence_3d = prediction_3d[:, :, 2:]
    # ---- match(): scatter ground truth into prior slots ----
    xmin, ymin, xmax, ymax = boxes[..., 0], boxes[..., 1], boxes[..., 2], boxes[..., 3]
    cx = (xmin + xmax) // 2
    cy = (ymin + ymax) // 2
    k = (cy // 32) * 10 + (cx // 32)  # [B, nobj], k < 100 <= P
    flat_idx = (jnp.arange(B)[:, None] * P + k).reshape(-1)
    centers = jnp.stack([cx, cy], axis=-1).astype(jnp.float32)  # [B, nobj, 2]
    offs = centers - priorBox_2d[k]  # gather on priors
    gt_offset_3d = jnp.zeros((B * P, 2), jnp.float32).at[flat_idx].set(offs.reshape(-1, 2)).reshape(B, P, 2)
    gt_classid_2d = jnp.zeros((B * P,), jnp.int32).at[flat_idx].set(classids.reshape(-1).astype(jnp.int32)).reshape(B, P)
    # ---- location loss: MSE over positive priors ----
    positive_2d = gt_classid_2d > 0
    num_pos = jnp.maximum(jnp.sum(positive_2d), 1).astype(jnp.float32)
    sq = (gt_offset_3d - p_offset_3d) ** 2
    location_loss = jnp.sum(sq * positive_2d[..., None]) / (num_pos * 2.0)
    # ---- hard negative mining via double argsort rank ----
    afterSoftmax = jax.nn.softmax(p_confidence_3d, axis=2)
    negtiveConfidence_2d = afterSoftmax[..., 0]
    index_2d = jnp.argsort(negtiveConfidence_2d, axis=1)
    rank_2d = jnp.argsort(index_2d, axis=1)
    negtive_2d = rank_2d < 2
    isSelected_2d = positive_2d | negtive_2d
    # ---- confidence loss: cross entropy over selected priors ----
    lse = jax.scipy.special.logsumexp(p_confidence_3d, axis=-1)
    picked = jnp.take_along_axis(p_confidence_3d, gt_classid_2d[..., None], axis=-1)[..., 0]
    ce = lse - picked
    num_sel = jnp.maximum(jnp.sum(isSelected_2d), 1).astype(jnp.float32)
    confidence_loss = jnp.sum(ce * isSelected_2d) / num_sel
    return (location_loss, confidence_loss)

if __name__ == "__main__":
    import jax
    _d = setup_inputs()
    print(jax.jit(kernel)(*tuple(_d.values())))

</pallas_src>

<mosaic_0001>
#map = affine_map<(d0, d1) -> (0, 0)>
#map1 = affine_map<(d0, d1) -> (0)>
#map2 = affine_map<(d0, d1) -> (0, 0, 0)>
module attributes {stable_mosaic.version = 14 : i64} {
  func.func @k(%arg0: i32, %arg1: i32, %arg2: memref<8x224xi32, #tpu.memory_space<hbm>>, %arg3: memref<8x64xi32, #tpu.memory_space<hbm>>, %arg4: memref<208xf32, #tpu.memory_space<hbm>>, %arg5: memref<8x1x128xi32, #tpu.memory_space<hbm>>, %arg6: memref<8x1x128xf32, #tpu.memory_space<hbm>>, %arg7: memref<8x1x128xf32, #tpu.memory_space<hbm>>, %arg8: memref<224xi32, #tpu.memory_space<vmem>>, %arg9: memref<64xi32, #tpu.memory_space<vmem>>, %arg10: memref<208xf32, #tpu.memory_space<vmem>>, %arg11: memref<128xi32, #tpu.memory_space<vmem>>, %arg12: memref<128xf32, #tpu.memory_space<vmem>>, %arg13: memref<128xf32, #tpu.memory_space<vmem>>) attributes {dimension_semantics = [#tpu.dimension_semantics<core_parallel>, #tpu.dimension_semantics<subcore_parallel>], iteration_bounds = array<i64: 2, 16>, scalar_prefetch = 0 : i64, scratch_operands = 6 : i64, tpu.core_type = #tpu.core_type<sc_vector_subcore>, window_params = [{transform_indices = #map}, {transform_indices = #map}, {transform_indices = #map1}, {transform_indices = #map2}, {transform_indices = #map2}, {transform_indices = #map2}]} {
    %mul3A = arith.constant 2 : i32
    %mul3A_0 = arith.muli %arg1, %mul3A : i32
    %add3A = arith.addi %mul3A_0, %arg0 : i32
    %lt3A = arith.constant 8 : i32
    %lt3A_1 = arith.cmpi slt, %add3A, %lt3A : i32
    %convert_element_type3A = arith.extui %lt3A_1 : i1 to i32
    %cond3A = arith.constant 0 : i32
    %cond3A_2 = arith.cmpi ne, %convert_element_type3A, %cond3A : i32
    scf.if %cond3A_2 {
      "tpu.region"() ({
        %run_scoped3A_427 = tpu.sem_alloc : memref<!tpu.dma_semaphore, #tpu.memory_space<semaphore_mem>>
        %dma_start3A = arith.constant 0 : i32
        %dma_start3A_428 = tpu.memref_slice %arg2[%add3A, %dma_start3A] : memref<8x224xi32, #tpu.memory_space<hbm>> -> memref<1x224xi32, #tpu.memory_space<hbm>>
        %dma_start3A_429 = tpu.memref_squeeze %dma_start3A_428 : memref<1x224xi32, #tpu.memory_space<hbm>> -> memref<224xi32, #tpu.memory_space<hbm>>
        %dma_start3A_430 = arith.constant 0 : i32
        %dma_start3A_431 = tpu.memref_slice %arg2[%add3A, %dma_start3A_430] : memref<8x224xi32, #tpu.memory_space<hbm>> -> memref<1x224xi32, #tpu.memory_space<hbm>>
        %dma_start3A_432 = tpu.memref_squeeze %dma_start3A_431 : memref<1x224xi32, #tpu.memory_space<hbm>> -> memref<224xi32, #tpu.memory_space<hbm>>
        tpu.enqueue_dma source(%dma_start3A_432 : memref<224xi32, #tpu.memory_space<hbm>>) target(%arg8 : memref<224xi32, #tpu.memory_space<vmem>>) target_semaphore(%run_scoped3A_427 : memref<!tpu.dma_semaphore, #tpu.memory_space<semaphore_mem>>)
        %dma_wait3A = arith.constant 0 : i32
        %dma_wait3A_433 = tpu.memref_slice %arg2[%add3A, %dma_wait3A] : memref<8x224xi32, #tpu.memory_space<hbm>> -> memref<1x224xi32, #tpu.memory_space<hbm>>
        %dma_wait3A_434 = tpu.memref_squeeze %dma_wait3A_433 : memref<1x224xi32, #tpu.memory_space<hbm>> -> memref<224xi32, #tpu.memory_space<hbm>>
        %dma_wait3A_435 = arith.constant 0 : i32
        %dma_wait3A_436 = tpu.memref_slice %arg2[%add3A, %dma_wait3A_435] : memref<8x224xi32, #tpu.memory_space<hbm>> -> memref<1x224xi32, #tpu.memory_space<hbm>>
        %dma_wait3A_437 = tpu.memref_squeeze %dma_wait3A_436 : memref<1x224xi32, #tpu.memory_space<hbm>> -> memref<224xi32, #tpu.memory_space<hbm>>
        tpu.wait_dma2 semaphore(%run_scoped3A_427 : memref<!tpu.dma_semaphore, #tpu.memory_space<semaphore_mem>>) src(%dma_wait3A_437 : memref<224xi32, #tpu.memory_space<hbm>>) dst(%arg8 : memref<224xi32, #tpu.memory_space<vmem>>)
        tpu.yield
      }) : () -> ()
      "tpu.region"() ({
        %run_scoped3A_427 = tpu.sem_alloc : memref<!tpu.dma_semaphore, #tpu.memory_space<semaphore_mem>>
        %dma_start3A = arith.constant 0 : i32
        %dma_start3A_428 = tpu.memref_slice %arg3[%add3A, %dma_start3A] : memref<8x64xi32, #tpu.memory_space<hbm>> -> memref<1x64xi32, #tpu.memory_space<hbm>>
        %dma_start3A_429 = tpu.memref_squeeze %dma_start3A_428 : memref<1x64xi32, #tpu.memory_space<hbm>> -> memref<64xi32, #tpu.memory_space<hbm>>
        %dma_start3A_430 = arith.constant 0 : i32
        %dma_start3A_431 = tpu.memref_slice %arg3[%add3A, %dma_start3A_430] : memref<8x64xi32, #tpu.memory_space<hbm>> -> memref<1x64xi32, #tpu.memory_space<hbm>>
        %dma_start3A_432 = tpu.memref_squeeze %dma_start3A_431 : memref<1x64xi32, #tpu.memory_space<hbm>> -> memref<64xi32, #tpu.memory_space<hbm>>
        tpu.enqueue_dma source(%dma_start3A_432 : memref<64xi32, #tpu.memory_space<hbm>>) target(%arg9 : memref<64xi32, #tpu.memory_space<vmem>>) target_semaphore(%run_scoped3A_427 : memref<!tpu.dma_semaphore, #tpu.memory_space<semaphore_mem>>)
        %dma_wait3A = arith.constant 0 : i32
        %dma_wait3A_433 = tpu.memref_slice %arg3[%add3A, %dma_wait3A] : memref<8x64xi32, #tpu.memory_space<hbm>> -> memref<1x64xi32, #tpu.memory_space<hbm>>
        %dma_wait3A_434 = tpu.memref_squeeze %dma_wait3A_433 : memref<1x64xi32, #tpu.memory_space<hbm>> -> memref<64xi32, #tpu.memory_space<hbm>>
        %dma_wait3A_435 = arith.constant 0 : i32
        %dma_wait3A_436 = tpu.memref_slice %arg3[%add3A, %dma_wait3A_435] : memref<8x64xi32, #tpu.memory_space<hbm>> -> memref<1x64xi32, #tpu.memory_space<hbm>>
        %dma_wait3A_437 = tpu.memref_squeeze %dma_wait3A_436 : memref<1x64xi32, #tpu.memory_space<hbm>> -> memref<64xi32, #tpu.memory_space<hbm>>
        tpu.wait_dma2 semaphore(%run_scoped3A_427 : memref<!tpu.dma_semaphore, #tpu.memory_space<semaphore_mem>>) src(%dma_wait3A_437 : memref<64xi32, #tpu.memory_space<hbm>>) dst(%arg9 : memref<64xi32, #tpu.memory_space<vmem>>)
        tpu.yield
      }) : () -> ()
      "tpu.region"() ({
        %run_scoped3A_427 = tpu.sem_alloc : memref<!tpu.dma_semaphore, #tpu.memory_space<semaphore_mem>>
        tpu.enqueue_dma source(%arg4 : memref<208xf32, #tpu.memory_space<hbm>>) target(%arg10 : memref<208xf32, #tpu.memory_space<vmem>>) target_semaphore(%run_scoped3A_427 : memref<!tpu.dma_semaphore, #tpu.memory_space<semaphore_mem>>)
        tpu.wait_dma2 semaphore(%run_scoped3A_427 : memref<!tpu.dma_semaphore, #tpu.memory_space<semaphore_mem>>) src(%arg4 : memref<208xf32, #tpu.memory_space<hbm>>) dst(%arg10 : memref<208xf32, #tpu.memory_space<vmem>>)
        tpu.yield
      }) : () -> ()
      %iota3A = tpu.iota {dimensions = array<i32: 0>} : vector<16xi32>
      %broadcast_in_dim3A = arith.constant 0 : i32
      %broadcast_in_dim3A_3 = vector.broadcast %broadcast_in_dim3A : i32 to vector<16xi32>
      %broadcast_in_dim3A_4 = arith.constant 0.000000e+00 : f32
      %broadcast_in_dim3A_5 = vector.broadcast %broadcast_in_dim3A_4 : f32 to vector<16xf32>
      %swap3A = arith.constant 0 : index
      %swap3A_6 = tpu.vector_load %arg11[%swap3A] {strides = array<i32>} : memref<128xi32, #tpu.memory_space<vmem>>, vector<16xi32>,
      tpu.vector_store %arg11[%swap3A], %broadcast_in_dim3A_3 {strides = array<i32>} : memref<128xi32, #tpu.memory_space<vmem>>, vector<16xi32>,
      %swap3A_7 = arith.constant 0 : index
      %swap3A_8 = tpu.vector_load %arg12[%swap3A_7] {strides = array<i32>} : memref<128xf32, #tpu.memory_space<vmem>>, vector<16xf32>,
      tpu.vector_store %arg12[%swap3A_7], %broadcast_in_dim3A_5 {strides = array<i32>} : memref<128xf32, #tpu.memory_space<vmem>>, vector<16xf32>,
      %swap3A_9 = arith.constant 0 : index
      %swap3A_10 = tpu.vector_load %arg13[%swap3A_9] {strides = array<i32>} : memref<128xf32, #tpu.memory_space<vmem>>, vector<16xf32>,
      tpu.vector_store %arg13[%swap3A_9], %broadcast_in_dim3A_5 {strides = array<i32>} : memref<128xf32, #tpu.memory_space<vmem>>, vector<16xf32>,
      %swap3A_11 = arith.constant 16 : index
      %swap3A_12 = tpu.vector_load %arg11[%swap3A_11] {strides = array<i32>} : memref<128xi32, #tpu.memory_space<vmem>>, vector<16xi32>,
      tpu.vector_store %arg11[%swap3A_11], %broadcast_in_dim3A_3 {strides = array<i32>} : memref<128xi32, #tpu.memory_space<vmem>>, vector<16xi32>,
      %swap3A_13 = arith.constant 16 : index
      %swap3A_14 = tpu.vector_load %arg12[%swap3A_13] {strides = array<i32>} : memref<128xf32, #tpu.memory_space<vmem>>, vector<16xf32>,
      tpu.vector_store %arg12[%swap3A_13], %broadcast_in_dim3A_5 {strides = array<i32>} : memref<128xf32, #tpu.memory_space<vmem>>, vector<16xf32>,
      %swap3A_15 = arith.constant 16 : index
      %swap3A_16 = tpu.vector_load %arg13[%swap3A_15] {strides = array<i32>} : memref<128xf32, #tpu.memory_space<vmem>>, vector<16xf32>,
      tpu.vector_store %arg13[%swap3A_15], %broadcast_in_dim3A_5 {strides = array<i32>} : memref<128xf32, #tpu.memory_space<vmem>>, vector<16xf32>,
      %swap3A_17 = arith.constant 32 : index
      %swap3A_18 = tpu.vector_load %arg11[%swap3A_17] {strides = array<i32>} : memref<128xi32, #tpu.memory_space<vmem>>, vector<16xi32>,
      tpu.vector_store %arg11[%swap3A_17], %broadcast_in_dim3A_3 {strides = array<i32>} : memref<128xi32, #tpu.memory_space<vmem>>, vector<16xi32>,
      %swap3A_19 = arith.constant 32 : index
      %swap3A_20 = tpu.vector_load %arg12[%swap3A_19] {strides = array<i32>} : memref<128xf32, #tpu.memory_space<vmem>>, vector<16xf32>,
      tpu.vector_store %arg12[%swap3A_19], %broadcast_in_dim3A_5 {strides = array<i32>} : memref<128xf32, #tpu.memory_space<vmem>>, vector<16xf32>,
      %swap3A_21 = arith.constant 32 : index
      %swap3A_22 = tpu.vector_load %arg13[%swap3A_21] {strides = array<i32>} : memref<128xf32, #tpu.memory_space<vmem>>, vector<16xf32>,
      tpu.vector_store %arg13[%swap3A_21], %broadcast_in_dim3A_5 {strides = array<i32>} : memref<128xf32, #tpu.memory_space<vmem>>, vector<16xf32>,
      %swap3A_23 = arith.constant 48 : index
      %swap3A_24 = tpu.vector_load %arg11[%swap3A_23] {strides = array<i32>} : memref<128xi32, #tpu.memory_space<vmem>>, vector<16xi32>,
      tpu.vector_store %arg11[%swap3A_23], %broadcast_in_dim3A_3 {strides = array<i32>} : memref<128xi32, #tpu.memory_space<vmem>>, vector<16xi32>,
      %swap3A_25 = arith.constant 48 : index
      %swap3A_26 = tpu.vector_load %arg12[%swap3A_25] {strides = array<i32>} : memref<128xf32, #tpu.memory_space<vmem>>, vector<16xf32>,
      tpu.vector_store %arg12[%swap3A_25], %broadcast_in_dim3A_5 {strides = array<i32>} : memref<128xf32, #tpu.memory_space<vmem>>, vector<16xf32>,
      %swap3A_27 = arith.constant 48 : index
      %swap3A_28 = tpu.vector_load %arg13[%swap3A_27] {strides = array<i32>} : memref<128xf32, #tpu.memory_space<vmem>>, vector<16xf32>,
      tpu.vector_store %arg13[%swap3A_27], %broadcast_in_dim3A_5 {strides = array<i32>} : memref<128xf32, #tpu.memory_space<vmem>>, vector<16xf32>,
      %swap3A_29 = arith.constant 64 : index
      %swap3A_30 = tpu.vector_load %arg11[%swap3A_29] {strides = array<i32>} : memref<128xi32, #tpu.memory_space<vmem>>, vector<16xi32>,
      tpu.vector_store %arg11[%swap3A_29], %broadcast_in_dim3A_3 {strides = array<i32>} : memref<128xi32, #tpu.memory_space<vmem>>, vector<16xi32>,
      %swap3A_31 = arith.constant 64 : index
      %swap3A_32 = tpu.vector_load %arg12[%swap3A_31] {strides = array<i32>} : memref<128xf32, #tpu.memory_space<vmem>>, vector<16xf32>,
      tpu.vector_store %arg12[%swap3A_31], %broadcast_in_dim3A_5 {strides = array<i32>} : memref<128xf32, #tpu.memory_space<vmem>>, vector<16xf32>,
      %swap3A_33 = arith.constant 64 : index
      %swap3A_34 = tpu.vector_load %arg13[%swap3A_33] {strides = array<i32>} : memref<128xf32, #tpu.memory_space<vmem>>, vector<16xf32>,
      tpu.vector_store %arg13[%swap3A_33], %broadcast_in_dim3A_5 {strides = array<i32>} : memref<128xf32, #tpu.memory_space<vmem>>, vector<16xf32>,
      %swap3A_35 = arith.constant 80 : index
      %swap3A_36 = tpu.vector_load %arg11[%swap3A_35] {strides = array<i32>} : memref<128xi32, #tpu.memory_space<vmem>>, vector<16xi32>,
      tpu.vector_store %arg11[%swap3A_35], %broadcast_in_dim3A_3 {strides = array<i32>} : memref<128xi32, #tpu.memory_space<vmem>>, vector<16xi32>,
      %swap3A_37 = arith.constant 80 : index
      %swap3A_38 = tpu.vector_load %arg12[%swap3A_37] {strides = array<i32>} : memref<128xf32, #tpu.memory_space<vmem>>, vector<16xf32>,
      tpu.vector_store %arg12[%swap3A_37], %broadcast_in_dim3A_5 {strides = array<i32>} : memref<128xf32, #tpu.memory_space<vmem>>, vector<16xf32>,
      %swap3A_39 = arith.constant 80 : index
      %swap3A_40 = tpu.vector_load %arg13[%swap3A_39] {strides = array<i32>} : memref<128xf32, #tpu.memory_space<vmem>>, vector<16xf32>,
      tpu.vector_store %arg13[%swap3A_39], %broadcast_in_dim3A_5 {strides = array<i32>} : memref<128xf32, #tpu.memory_space<vmem>>, vector<16xf32>,
      %swap3A_41 = arith.constant 96 : index
      %swap3A_42 = tpu.vector_load %arg11[%swap3A_41] {strides = array<i32>} : memref<128xi32, #tpu.memory_space<vmem>>, vector<16xi32>,
      tpu.vector_store %arg11[%swap3A_41], %broadcast_in_dim3A_3 {strides = array<i32>} : memref<128xi32, #tpu.memory_space<vmem>>, vector<16xi32>,
      %swap3A_43 = arith.constant 96 : index
      %swap3A_44 = tpu.vector_load %arg12[%swap3A_43] {strides = array<i32>} : memref<128xf32, #tpu.memory_space<vmem>>, vector<16xf32>,
      tpu.vector_store %arg12[%swap3A_43], %broadcast_in_dim3A_5 {strides = array<i32>} : memref<128xf32, #tpu.memory_space<vmem>>, vector<16xf32>,
      %swap3A_45 = arith.constant 96 : index
      %swap3A_46 = tpu.vector_load %arg13[%swap3A_45] {strides = array<i32>} : memref<128xf32, #tpu.memory_space<vmem>>, vector<16xf32>,
      tpu.vector_store %arg13[%swap3A_45], %broadcast_in_dim3A_5 {strides = array<i32>} : memref<128xf32, #tpu.memory_space<vmem>>, vector<16xf32>,
      %swap3A_47 = arith.constant 112 : index
      %swap3A_48 = tpu.vector_load %arg11[%swap3A_47] {strides = array<i32>} : memref<128xi32, #tpu.memory_space<vmem>>, vector<16xi32>,
      tpu.vector_store %arg11[%swap3A_47], %broadcast_in_dim3A_3 {strides = array<i32>} : memref<128xi32, #tpu.memory_space<vmem>>, vector<16xi32>,
      %swap3A_49 = arith.constant 112 : index
      %swap3A_50 = tpu.vector_load %arg12[%swap3A_49] {strides = array<i32>} : memref<128xf32, #tpu.memory_space<vmem>>, vector<16xf32>,
      tpu.vector_store %arg12[%swap3A_49], %broadcast_in_dim3A_5 {strides = array<i32>} : memref<128xf32, #tpu.memory_space<vmem>>, vector<16xf32>,
      %swap3A_51 = arith.constant 112 : index
      %swap3A_52 = tpu.vector_load %arg13[%swap3A_51] {strides = array<i32>} : memref<128xf32, #tpu.memory_space<vmem>>, vector<16xf32>,
      tpu.vector_store %arg13[%swap3A_51], %broadcast_in_dim3A_5 {strides = array<i32>} : memref<128xf32, #tpu.memory_space<vmem>>, vector<16xf32>,
      %add3A_53 = arith.constant 0 : i32
      %add3A_54 = vector.broadcast %add3A_53 : i32 to vector<16xi32>
      %add3A_55 = arith.addi %iota3A, %add3A_54 : vector<16xi32>
      %min3A = arith.constant 49 : i32
      %min3A_56 = vector.broadcast %min3A : i32 to vector<16xi32>
      %min3A_57 = arith.minsi %add3A_55, %min3A_56 : vector<16xi32>
      %mul3A_58 = arith.constant 4 : i32
      %mul3A_59 = vector.broadcast %mul3A_58 : i32 to vector<16xi32>
      %mul3A_60 = arith.muli %min3A_57, %mul3A_59 : vector<16xi32>
      %gather3A = tpu.vector_load_idx %arg8[%mul3A_60] : memref<224xi32, #tpu.memory_space<vmem>>[vector<16xi32>], vector<16xi32>,
      %add3A_61 = arith.constant 1 : i32
      %add3A_62 = vector.broadcast %add3A_61 : i32 to vector<16xi32>
      %add3A_63 = arith.addi %mul3A_60, %add3A_62 : vector<16xi32>
      %gather3A_64 = tpu.vector_load_idx %arg8[%add3A_63] : memref<224xi32, #tpu.memory_space<vmem>>[vector<16xi32>], vector<16xi32>,
      %add3A_65 = arith.constant 2 : i32
      %add3A_66 = vector.broadcast %add3A_65 : i32 to vector<16xi32>
      %add3A_67 = arith.addi %mul3A_60, %add3A_66 : vector<16xi32>
      %gather3A_68 = tpu.vector_load_idx %arg8[%add3A_67] : memref<224xi32, #tpu.memory_space<vmem>>[vector<16xi32>], vector<16xi32>,
      %add3A_69 = arith.constant 3 : i32
      %add3A_70 = vector.broadcast %add3A_69 : i32 to vector<16xi32>
      %add3A_71 = arith.addi %mul3A_60, %add3A_70 : vector<16xi32>
      %gather3A_72 = tpu.vector_load_idx %arg8[%add3A_71] : memref<224xi32, #tpu.memory_space<vmem>>[vector<16xi32>], vector<16xi32>,
      %add3A_73 = arith.addi %gather3A, %gather3A_68 : vector<16xi32>
      %shift_right_arithmetic3A = arith.constant 1 : i32
      %shift_right_arithmetic3A_74 = vector.broadcast %shift_right_arithmetic3A : i32 to vector<16xi32>
      %shift_right_arithmetic3A_75 = arith.shrsi %add3A_73, %shift_right_arithmetic3A_74 : vector<16xi32>
      %add3A_76 = arith.addi %gather3A_64, %gather3A_72 : vector<16xi32>
      %shift_right_arithmetic3A_77 = arith.constant 1 : i32
      %shift_right_arithmetic3A_78 = vector.broadcast %shift_right_arithmetic3A_77 : i32 to vector<16xi32>
      %shift_right_arithmetic3A_79 = arith.shrsi %add3A_76, %shift_right_arithmetic3A_78 : vector<16xi32>
      %shift_right_arithmetic3A_80 = arith.constant 5 : i32
      %shift_right_arithmetic3A_81 = vector.broadcast %shift_right_arithmetic3A_80 : i32 to vector<16xi32>
      %shift_right_arithmetic3A_82 = arith.shrsi %shift_right_arithmetic3A_79, %shift_right_arithmetic3A_81 : vector<16xi32>
      %mul3A_83 = arith.constant 10 : i32
      %mul3A_84 = vector.broadcast %mul3A_83 : i32 to vector<16xi32>
      %mul3A_85 = arith.muli %shift_right_arithmetic3A_82, %mul3A_84 : vector<16xi32>
      %shift_right_arithmetic3A_86 = arith.constant 5 : i32
      %shift_right_arithmetic3A_87 = vector.broadcast %shift_right_arithmetic3A_86 : i32 to vector<16xi32>
      %shift_right_arithmetic3A_88 = arith.shrsi %shift_right_arithmetic3A_75, %shift_right_arithmetic3A_87 : vector<16xi32>
      %add3A_89 = arith.addi %mul3A_85, %shift_right_arithmetic3A_88 : vector<16xi32>
      %mul3A_90 = arith.constant 2 : i32
      %mul3A_91 = vector.broadcast %mul3A_90 : i32 to vector<16xi32>
      %mul3A_92 = arith.muli %add3A_89, %mul3A_91 : vector<16xi32>
      %gather3A_93 = tpu.vector_load_idx %arg10[%mul3A_92] : memref<208xf32, #tpu.memory_space<vmem>>[vector<16xi32>], vector<16xf32>,
      %mul3A_94 = arith.constant 2 : i32
      %mul3A_95 = vector.broadcast %mul3A_94 : i32 to vector<16xi32>
      %mul3A_96 = arith.muli %add3A_89, %mul3A_95 : vector<16xi32>
      %add3A_97 = arith.constant 1 : i32
      %add3A_98 = vector.broadcast %add3A_97 : i32 to vector<16xi32>
      %add3A_99 = arith.addi %mul3A_96, %add3A_98 : vector<16xi32>
      %gather3A_100 = tpu.vector_load_idx %arg10[%add3A_99] : memref<208xf32, #tpu.memory_space<vmem>>[vector<16xi32>], vector<16xf32>,
      %convert_element_type3A_101 = arith.sitofp %shift_right_arithmetic3A_75 : vector<16xi32> to vector<16xf32>
      %sub3A = arith.subf %convert_element_type3A_101, %gather3A_93 : vector<16xf32>
      %convert_element_type3A_102 = arith.sitofp %shift_right_arithmetic3A_79 : vector<16xi32> to vector<16xf32>
      %sub3A_103 = arith.subf %convert_element_type3A_102, %gather3A_100 : vector<16xf32>
      %get3A = arith.constant 0 : index
      %get3A_104 = tpu.vector_load %arg9[%get3A] {strides = array<i32>} : memref<64xi32, #tpu.memory_space<vmem>>, vector<16xi32>,
      %add3A_105 = arith.constant 16 : i32
      %add3A_106 = vector.broadcast %add3A_105 : i32 to vector<16xi32>
      %add3A_107 = arith.addi %iota3A, %add3A_106 : vector<16xi32>
      %min3A_108 = arith.constant 49 : i32
      %min3A_109 = vector.broadcast %min3A_108 : i32 to vector<16xi32>
      %min3A_110 = arith.minsi %add3A_107, %min3A_109 : vector<16xi32>
      %mul3A_111 = arith.constant 4 : i32
      %mul3A_112 = vector.broadcast %mul3A_111 : i32 to vector<16xi32>
      %mul3A_113 = arith.muli %min3A_110, %mul3A_112 : vector<16xi32>
      %gather3A_114 = tpu.vector_load_idx %arg8[%mul3A_113] : memref<224xi32, #tpu.memory_space<vmem>>[vector<16xi32>], vector<16xi32>,
      %add3A_115 = arith.constant 1 : i32
      %add3A_116 = vector.broadcast %add3A_115 : i32 to vector<16xi32>
      %add3A_117 = arith.addi %mul3A_113, %add3A_116 : vector<16xi32>
      %gather3A_118 = tpu.vector_load_idx %arg8[%add3A_117] : memref<224xi32, #tpu.memory_space<vmem>>[vector<16xi32>], vector<16xi32>,
      %add3A_119 = arith.constant 2 : i32
      %add3A_120 = vector.broadcast %add3A_119 : i32 to vector<16xi32>
      %add3A_121 = arith.addi %mul3A_113, %add3A_120 : vector<16xi32>
      %gather3A_122 = tpu.vector_load_idx %arg8[%add3A_121] : memref<224xi32, #tpu.memory_space<vmem>>[vector<16xi32>], vector<16xi32>,
      %add3A_123 = arith.constant 3 : i32
      %add3A_124 = vector.broadcast %add3A_123 : i32 to vector<16xi32>
      %add3A_125 = arith.addi %mul3A_113, %add3A_124 : vector<16xi32>
      %gather3A_126 = tpu.vector_load_idx %arg8[%add3A_125] : memref<224xi32, #tpu.memory_space<vmem>>[vector<16xi32>], vector<16xi32>,
      %add3A_127 = arith.addi %gather3A_114, %gather3A_122 : vector<16xi32>
      %shift_right_arithmetic3A_128 = arith.constant 1 : i32
      %shift_right_arithmetic3A_129 = vector.broadcast %shift_right_arithmetic3A_128 : i32 to vector<16xi32>
      %shift_right_arithmetic3A_130 = arith.shrsi %add3A_127, %shift_right_arithmetic3A_129 : vector<16xi32>
      %add3A_131 = arith.addi %gather3A_118, %gather3A_126 : vector<16xi32>
      %shift_right_arithmetic3A_132 = arith.constant 1 : i32
      %shift_right_arithmetic3A_133 = vector.broadcast %shift_right_arithmetic3A_132 : i32 to vector<16xi32>
      %shift_right_arithmetic3A_134 = arith.shrsi %add3A_131, %shift_right_arithmetic3A_133 : vector<16xi32>
      %shift_right_arithmetic3A_135 = arith.constant 5 : i32
      %shift_right_arithmetic3A_136 = vector.broadcast %shift_right_arithmetic3A_135 : i32 to vector<16xi32>
      %shift_right_arithmetic3A_137 = arith.shrsi %shift_right_arithmetic3A_134, %shift_right_arithmetic3A_136 : vector<16xi32>
      %mul3A_138 = arith.constant 10 : i32
      %mul3A_139 = vector.broadcast %mul3A_138 : i32 to vector<16xi32>
      %mul3A_140 = arith.muli %shift_right_arithmetic3A_137, %mul3A_139 : vector<16xi32>
      %shift_right_arithmetic3A_141 = arith.constant 5 : i32
      %shift_right_arithmetic3A_142 = vector.broadcast %shift_right_arithmetic3A_141 : i32 to vector<16xi32>
      %shift_right_arithmetic3A_143 = arith.shrsi %shift_right_arithmetic3A_130, %shift_right_arithmetic3A_142 : vector<16xi32>
      %add3A_144 = arith.addi %mul3A_140, %shift_right_arithmetic3A_143 : vector<16xi32>
      %mul3A_145 = arith.constant 2 : i32
      %mul3A_146 = vector.broadcast %mul3A_145 : i32 to vector<16xi32>
      %mul3A_147 = arith.muli %add3A_144, %mul3A_146 : vector<16xi32>
      %gather3A_148 = tpu.vector_load_idx %arg10[%mul3A_147] : memref<208xf32, #tpu.memory_space<vmem>>[vector<16xi32>], vector<16xf32>,
      %mul3A_149 = arith.constant 2 : i32
      %mul3A_150 = vector.broadcast %mul3A_149 : i32 to vector<16xi32>
      %mul3A_151 = arith.muli %add3A_144, %mul3A_150 : vector<16xi32>
      %add3A_152 = arith.constant 1 : i32
      %add3A_153 = vector.broadcast %add3A_152 : i32 to vector<16xi32>
      %add3A_154 = arith.addi %mul3A_151, %add3A_153 : vector<16xi32>
      %gather3A_155 = tpu.vector_load_idx %arg10[%add3A_154] : memref<208xf32, #tpu.memory_space<vmem>>[vector<16xi32>], vector<16xf32>,
      %convert_element_type3A_156 = arith.sitofp %shift_right_arithmetic3A_130 : vector<16xi32> to vector<16xf32>
      %sub3A_157 = arith.subf %convert_element_type3A_156, %gather3A_148 : vector<16xf32>
      %convert_element_type3A_158 = arith.sitofp %shift_right_arithmetic3A_134 : vector<16xi32> to vector<16xf32>
      %sub3A_159 = arith.subf %convert_element_type3A_158, %gather3A_155 : vector<16xf32>
      %get3A_160 = arith.constant 16 : index
      %get3A_161 = tpu.vector_load %arg9[%get3A_160] {strides = array<i32>} : memref<64xi32, #tpu.memory_space<vmem>>, vector<16xi32>,
      %add3A_162 = arith.constant 32 : i32
      %add3A_163 = vector.broadcast %add3A_162 : i32 to vector<16xi32>
      %add3A_164 = arith.addi %iota3A, %add3A_163 : vector<16xi32>
      %min3A_165 = arith.constant 49 : i32
      %min3A_166 = vector.broadcast %min3A_165 : i32 to vector<16xi32>
      %min3A_167 = arith.minsi %add3A_164, %min3A_166 : vector<16xi32>
      %mul3A_168 = arith.constant 4 : i32
      %mul3A_169 = vector.broadcast %mul3A_168 : i32 to vector<16xi32>
      %mul3A_170 = arith.muli %min3A_167, %mul3A_169 : vector<16xi32>
      %gather3A_171 = tpu.vector_load_idx %arg8[%mul3A_170] : memref<224xi32, #tpu.memory_space<vmem>>[vector<16xi32>], vector<16xi32>,
      %add3A_172 = arith.constant 1 : i32
      %add3A_173 = vector.broadcast %add3A_172 : i32 to vector<16xi32>
      %add3A_174 = arith.addi %mul3A_170, %add3A_173 : vector<16xi32>
      %gather3A_175 = tpu.vector_load_idx %arg8[%add3A_174] : memref<224xi32, #tpu.memory_space<vmem>>[vector<16xi32>], vector<16xi32>,
      %add3A_176 = arith.constant 2 : i32
      %add3A_177 = vector.broadcast %add3A_176 : i32 to vector<16xi32>
      %add3A_178 = arith.addi %mul3A_170, %add3A_177 : vector<16xi32>
      %gather3A_179 = tpu.vector_load_idx %arg8[%add3A_178] : memref<224xi32, #tpu.memory_space<vmem>>[vector<16xi32>], vector<16xi32>,
      %add3A_180 = arith.constant 3 : i32
      %add3A_181 = vector.broadcast %add3A_180 : i32 to vector<16xi32>
      %add3A_182 = arith.addi %mul3A_170, %add3A_181 : vector<16xi32>
      %gather3A_183 = tpu.vector_load_idx %arg8[%add3A_182] : memref<224xi32, #tpu.memory_space<vmem>>[vector<16xi32>], vector<16xi32>,
      %add3A_184 = arith.addi %gather3A_171, %gather3A_179 : vector<16xi32>
      %shift_right_arithmetic3A_185 = arith.constant 1 : i32
      %shift_right_arithmetic3A_186 = vector.broadcast %shift_right_arithmetic3A_185 : i32 to vector<16xi32>
      %shift_right_arithmetic3A_187 = arith.shrsi %add3A_184, %shift_right_arithmetic3A_186 : vector<16xi32>
      %add3A_188 = arith.addi %gather3A_175, %gather3A_183 : vector<16xi32>
      %shift_right_arithmetic3A_189 = arith.constant 1 : i32
      %shift_right_arithmetic3A_190 = vector.broadcast %shift_right_arithmetic3A_189 : i32 to vector<16xi32>
      %shift_right_arithmetic3A_191 = arith.shrsi %add3A_188, %shift_right_arithmetic3A_190 : vector<16xi32>
      %shift_right_arithmetic3A_192 = arith.constant 5 : i32
      %shift_right_arithmetic3A_193 = vector.broadcast %shift_right_arithmetic3A_192 : i32 to vector<16xi32>
      %shift_right_arithmetic3A_194 = arith.shrsi %shift_right_arithmetic3A_191, %shift_right_arithmetic3A_193 : vector<16xi32>
      %mul3A_195 = arith.constant 10 : i32
      %mul3A_196 = vector.broadcast %mul3A_195 : i32 to vector<16xi32>
      %mul3A_197 = arith.muli %shift_right_arithmetic3A_194, %mul3A_196 : vector<16xi32>
      %shift_right_arithmetic3A_198 = arith.constant 5 : i32
      %shift_right_arithmetic3A_199 = vector.broadcast %shift_right_arithmetic3A_198 : i32 to vector<16xi32>
      %shift_right_arithmetic3A_200 = arith.shrsi %shift_right_arithmetic3A_187, %shift_right_arithmetic3A_199 : vector<16xi32>
      %add3A_201 = arith.addi %mul3A_197, %shift_right_arithmetic3A_200 : vector<16xi32>
      %mul3A_202 = arith.constant 2 : i32
      %mul3A_203 = vector.broadcast %mul3A_202 : i32 to vector<16xi32>
      %mul3A_204 = arith.muli %add3A_201, %mul3A_203 : vector<16xi32>
      %gather3A_205 = tpu.vector_load_idx %arg10[%mul3A_204] : memref<208xf32, #tpu.memory_space<vmem>>[vector<16xi32>], vector<16xf32>,
      %mul3A_206 = arith.constant 2 : i32
      %mul3A_207 = vector.broadcast %mul3A_206 : i32 to vector<16xi32>
      %mul3A_208 = arith.muli %add3A_201, %mul3A_207 : vector<16xi32>
      %add3A_209 = arith.constant 1 : i32
      %add3A_210 = vector.broadcast %add3A_209 : i32 to vector<16xi32>
      %add3A_211 = arith.addi %mul3A_208, %add3A_210 : vector<16xi32>
      %gather3A_212 = tpu.vector_load_idx %arg10[%add3A_211] : memref<208xf32, #tpu.memory_space<vmem>>[vector<16xi32>], vector<16xf32>,
      %convert_element_type3A_213 = arith.sitofp %shift_right_arithmetic3A_187 : vector<16xi32> to vector<16xf32>
      %sub3A_214 = arith.subf %convert_element_type3A_213, %gather3A_205 : vector<16xf32>
      %convert_element_type3A_215 = arith.sitofp %shift_right_arithmetic3A_191 : vector<16xi32> to vector<16xf32>
      %sub3A_216 = arith.subf %convert_element_type3A_215, %gather3A_212 : vector<16xf32>
      %get3A_217 = arith.constant 32 : index
      %get3A_218 = tpu.vector_load %arg9[%get3A_217] {strides = array<i32>} : memref<64xi32, #tpu.memory_space<vmem>>, vector<16xi32>,
      %add3A_219 = arith.constant 48 : i32
      %add3A_220 = vector.broadcast %add3A_219 : i32 to vector<16xi32>
      %add3A_221 = arith.addi %iota3A, %add3A_220 : vector<16xi32>
      %min3A_222 = arith.constant 49 : i32
      %min3A_223 = vector.broadcast %min3A_222 : i32 to vector<16xi32>
      %min3A_224 = arith.minsi %add3A_221, %min3A_223 : vector<16xi32>
      %mul3A_225 = arith.constant 4 : i32
      %mul3A_226 = vector.broadcast %mul3A_225 : i32 to vector<16xi32>
      %mul3A_227 = arith.muli %min3A_224, %mul3A_226 : vector<16xi32>
      %gather3A_228 = tpu.vector_load_idx %arg8[%mul3A_227] : memref<224xi32, #tpu.memory_space<vmem>>[vector<16xi32>], vector<16xi32>,
      %add3A_229 = arith.constant 1 : i32
      %add3A_230 = vector.broadcast %add3A_229 : i32 to vector<16xi32>
      %add3A_231 = arith.addi %mul3A_227, %add3A_230 : vector<16xi32>
      %gather3A_232 = tpu.vector_load_idx %arg8[%add3A_231] : memref<224xi32, #tpu.memory_space<vmem>>[vector<16xi32>], vector<16xi32>,
      %add3A_233 = arith.constant 2 : i32
      %add3A_234 = vector.broadcast %add3A_233 : i32 to vector<16xi32>
      %add3A_235 = arith.addi %mul3A_227, %add3A_234 : vector<16xi32>
      %gather3A_236 = tpu.vector_load_idx %arg8[%add3A_235] : memref<224xi32, #tpu.memory_space<vmem>>[vector<16xi32>], vector<16xi32>,
      %add3A_237 = arith.constant 3 : i32
      %add3A_238 = vector.broadcast %add3A_237 : i32 to vector<16xi32>
      %add3A_239 = arith.addi %mul3A_227, %add3A_238 : vector<16xi32>
      %gather3A_240 = tpu.vector_load_idx %arg8[%add3A_239] : memref<224xi32, #tpu.memory_space<vmem>>[vector<16xi32>], vector<16xi32>,
      %add3A_241 = arith.addi %gather3A_228, %gather3A_236 : vector<16xi32>
      %shift_right_arithmetic3A_242 = arith.constant 1 : i32
      %shift_right_arithmetic3A_243 = vector.broadcast %shift_right_arithmetic3A_242 : i32 to vector<16xi32>
      %shift_right_arithmetic3A_244 = arith.shrsi %add3A_241, %shift_right_arithmetic3A_243 : vector<16xi32>
      %add3A_245 = arith.addi %gather3A_232, %gather3A_240 : vector<16xi32>
      %shift_right_arithmetic3A_246 = arith.constant 1 : i32
      %shift_right_arithmetic3A_247 = vector.broadcast %shift_right_arithmetic3A_246 : i32 to vector<16xi32>
      %shift_right_arithmetic3A_248 = arith.shrsi %add3A_245, %shift_right_arithmetic3A_247 : vector<16xi32>
      %shift_right_arithmetic3A_249 = arith.constant 5 : i32
      %shift_right_arithmetic3A_250 = vector.broadcast %shift_right_arithmetic3A_249 : i32 to vector<16xi32>
      %shift_right_arithmetic3A_251 = arith.shrsi %shift_right_arithmetic3A_248, %shift_right_arithmetic3A_250 : vector<16xi32>
      %mul3A_252 = arith.constant 10 : i32
      %mul3A_253 = vector.broadcast %mul3A_252 : i32 to vector<16xi32>
      %mul3A_254 = arith.muli %shift_right_arithmetic3A_251, %mul3A_253 : vector<16xi32>
      %shift_right_arithmetic3A_255 = arith.constant 5 : i32
      %shift_right_arithmetic3A_256 = vector.broadcast %shift_right_arithmetic3A_255 : i32 to vector<16xi32>
      %shift_right_arithmetic3A_257 = arith.shrsi %shift_right_arithmetic3A_244, %shift_right_arithmetic3A_256 : vector<16xi32>
      %add3A_258 = arith.addi %mul3A_254, %shift_right_arithmetic3A_257 : vector<16xi32>
      %mul3A_259 = arith.constant 2 : i32
      %mul3A_260 = vector.broadcast %mul3A_259 : i32 to vector<16xi32>
      %mul3A_261 = arith.muli %add3A_258, %mul3A_260 : vector<16xi32>
      %gather3A_262 = tpu.vector_load_idx %arg10[%mul3A_261] : memref<208xf32, #tpu.memory_space<vmem>>[vector<16xi32>], vector<16xf32>,
      %mul3A_263 = arith.constant 2 : i32
      %mul3A_264 = vector.broadcast %mul3A_263 : i32 to vector<16xi32>
      %mul3A_265 = arith.muli %add3A_258, %mul3A_264 : vector<16xi32>
      %add3A_266 = arith.constant 1 : i32
      %add3A_267 = vector.broadcast %add3A_266 : i32 to vector<16xi32>
      %add3A_268 = arith.addi %mul3A_265, %add3A_267 : vector<16xi32>
      %gather3A_269 = tpu.vector_load_idx %arg10[%add3A_268] : memref<208xf32, #tpu.memory_space<vmem>>[vector<16xi32>], vector<16xf32>,
      %convert_element_type3A_270 = arith.sitofp %shift_right_arithmetic3A_244 : vector<16xi32> to vector<16xf32>
      %sub3A_271 = arith.subf %convert_element_type3A_270, %gather3A_262 : vector<16xf32>
      %convert_element_type3A_272 = arith.sitofp %shift_right_arithmetic3A_248 : vector<16xi32> to vector<16xf32>
      %sub3A_273 = arith.subf %convert_element_type3A_272, %gather3A_269 : vector<16xf32>
      %get3A_274 = arith.constant 48 : index
      %get3A_275 = tpu.vector_load %arg9[%get3A_274] {strides = array<i32>} : memref<64xi32, #tpu.memory_space<vmem>>, vector<16xi32>,
      %eq3A = arith.constant 0 : i32
      %eq3A_276 = vector.broadcast %eq3A : i32 to vector<16xi32>
      %eq3A_277 = arith.cmpi eq, %iota3A, %eq3A_276 : vector<16xi32>
      tpu.vector_store_idx %arg11[%add3A_89], %get3A_104 masked %eq3A_277 : memref<128xi32, #tpu.memory_space<vmem>>[vector<16xi32>], vector<16xi32>, vector<16xi1>
      tpu.vector_store_idx %arg12[%add3A_89], %sub3A masked %eq3A_277 : memref<128xf32, #tpu.memory_space<vmem>>[vector<16xi32>], vector<16xf32>, vector<16xi1>
      tpu.vector_store_idx %arg13[%add3A_89], %sub3A_103 masked %eq3A_277 : memref<128xf32, #tpu.memory_space<vmem>>[vector<16xi32>], vector<16xf32>, vector<16xi1>
      %eq3A_278 = arith.constant 1 : i32
      %eq3A_279 = vector.broadcast %eq3A_278 : i32 to vector<16xi32>
      %eq3A_280 = arith.cmpi eq, %iota3A, %eq3A_279 : vector<16xi32>
      tpu.vector_store_idx %arg11[%add3A_89], %get3A_104 masked %eq3A_280 : memref<128xi32, #tpu.memory_space<vmem>>[vector<16xi32>], vector<16xi32>, vector<16xi1>
      tpu.vector_store_idx %arg12[%add3A_89], %sub3A masked %eq3A_280 : memref<128xf32, #tpu.memory_space<vmem>>[vector<16xi32>], vector<16xf32>, vector<16xi1>
      tpu.vector_store_idx %arg13[%add3A_89], %sub3A_103 masked %eq3A_280 : memref<128xf32, #tpu.memory_space<vmem>>[vector<16xi32>], vector<16xf32>, vector<16xi1>
      %eq3A_281 = arith.constant 2 : i32
      %eq3A_282 = vector.broadcast %eq3A_281 : i32 to vector<16xi32>
      %eq3A_283 = arith.cmpi eq, %iota3A, %eq3A_282 : vector<16xi32>
      tpu.vector_store_idx %arg11[%add3A_89], %get3A_104 masked %eq3A_283 : memref<128xi32, #tpu.memory_space<vmem>>[vector<16xi32>], vector<16xi32>, vector<16xi1>
      tpu.vector_store_idx %arg12[%add3A_89], %sub3A masked %eq3A_283 : memref<128xf32, #tpu.memory_space<vmem>>[vector<16xi32>], vector<16xf32>, vector<16xi1>
      tpu.vector_store_idx %arg13[%add3A_89], %sub3A_103 masked %eq3A_283 : memref<128xf32, #tpu.memory_space<vmem>>[vector<16xi32>], vector<16xf32>, vector<16xi1>
      %eq3A_284 = arith.constant 3 : i32
      %eq3A_285 = vector.broadcast %eq3A_284 : i32 to vector<16xi32>
      %eq3A_286 = arith.cmpi eq, %iota3A, %eq3A_285 : vector<16xi32>
      tpu.vector_store_idx %arg11[%add3A_89], %get3A_104 masked %eq3A_286 : memref<128xi32, #tpu.memory_space<vmem>>[vector<16xi32>], vector<16xi32>, vector<16xi1>
      tpu.vector_store_idx %arg12[%add3A_89], %sub3A masked %eq3A_286 : memref<128xf32, #tpu.memory_space<vmem>>[vector<16xi32>], vector<16xf32>, vector<16xi1>
      tpu.vector_store_idx %arg13[%add3A_89], %sub3A_103 masked %eq3A_286 : memref<128xf32, #tpu.memory_space<vmem>>[vector<16xi32>], vector<16xf32>, vector<16xi1>
      %eq3A_287 = arith.constant 4 : i32
      %eq3A_288 = vector.broadcast %eq3A_287 : i32 to vector<16xi32>
      %eq3A_289 = arith.cmpi eq, %iota3A, %eq3A_288 : vector<16xi32>
      tpu.vector_store_idx %arg11[%add3A_89], %get3A_104 masked %eq3A_289 : memref<128xi32, #tpu.memory_space<vmem>>[vector<16xi32>], vector<16xi32>, vector<16xi1>
      tpu.vector_store_idx %arg12[%add3A_89], %sub3A masked %eq3A_289 : memref<128xf32, #tpu.memory_space<vmem>>[vector<16xi32>], vector<16xf32>, vector<16xi1>
      tpu.vector_store_idx %arg13[%add3A_89], %sub3A_103 masked %eq3A_289 : memref<128xf32, #tpu.memory_space<vmem>>[vector<16xi32>], vector<16xf32>, vector<16xi1>
      %eq3A_290 = arith.constant 5 : i32
      %eq3A_291 = vector.broadcast %eq3A_290 : i32 to vector<16xi32>
      %eq3A_292 = arith.cmpi eq, %iota3A, %eq3A_291 : vector<16xi32>
      tpu.vector_store_idx %arg11[%add3A_89], %get3A_104 masked %eq3A_292 : memref<128xi32, #tpu.memory_space<vmem>>[vector<16xi32>], vector<16xi32>, vector<16xi1>
      tpu.vector_store_idx %arg12[%add3A_89], %sub3A masked %eq3A_292 : memref<128xf32, #tpu.memory_space<vmem>>[vector<16xi32>], vector<16xf32>, vector<16xi1>
      tpu.vector_store_idx %arg13[%add3A_89], %sub3A_103 masked %eq3A_292 : memref<128xf32, #tpu.memory_space<vmem>>[vector<16xi32>], vector<16xf32>, vector<16xi1>
      %eq3A_293 = arith.constant 6 : i32
      %eq3A_294 = vector.broadcast %eq3A_293 : i32 to vector<16xi32>
      %eq3A_295 = arith.cmpi eq, %iota3A, %eq3A_294 : vector<16xi32>
      tpu.vector_store_idx %arg11[%add3A_89], %get3A_104 masked %eq3A_295 : memref<128xi32, #tpu.memory_space<vmem>>[vector<16xi32>], vector<16xi32>, vector<16xi1>
      tpu.vector_store_idx %arg12[%add3A_89], %sub3A masked %eq3A_295 : memref<128xf32, #tpu.memory_space<vmem>>[vector<16xi32>], vector<16xf32>, vector<16xi1>
      tpu.vector_store_idx %arg13[%add3A_89], %sub3A_103 masked %eq3A_295 : memref<128xf32, #tpu.memory_space<vmem>>[vector<16xi32>], vector<16xf32>, vector<16xi1>
      %eq3A_296 = arith.constant 7 : i32
      %eq3A_297 = vector.broadcast %eq3A_296 : i32 to vector<16xi32>
      %eq3A_298 = arith.cmpi eq, %iota3A, %eq3A_297 : vector<16xi32>
      tpu.vector_store_idx %arg11[%add3A_89], %get3A_104 masked %eq3A_298 : memref<128xi32, #tpu.memory_space<vmem>>[vector<16xi32>], vector<16xi32>, vector<16xi1>
      tpu.vector_store_idx %arg12[%add3A_89], %sub3A masked %eq3A_298 : memref<128xf32, #tpu.memory_space<vmem>>[vector<16xi32>], vector<16xf32>, vector<16xi1>
      tpu.vector_store_idx %arg13[%add3A_89], %sub3A_103 masked %eq3A_298 : memref<128xf32, #tpu.memory_space<vmem>>[vector<16xi32>], vector<16xf32>, vector<16xi1>
      %eq3A_299 = arith.constant 8 : i32
      %eq3A_300 = vector.broadcast %eq3A_299 : i32 to vector<16xi32>
      %eq3A_301 = arith.cmpi eq, %iota3A, %eq3A_300 : vector<16xi32>
      tpu.vector_store_idx %arg11[%add3A_89], %get3A_104 masked %eq3A_301 : memref<128xi32, #tpu.memory_space<vmem>>[vector<16xi32>], vector<16xi32>, vector<16xi1>
      tpu.vector_store_idx %arg12[%add3A_89], %sub3A masked %eq3A_301 : memref<128xf32, #tpu.memory_space<vmem>>[vector<16xi32>], vector<16xf32>, vector<16xi1>
      tpu.vector_store_idx %arg13[%add3A_89], %sub3A_103 masked %eq3A_301 : memref<128xf32, #tpu.memory_space<vmem>>[vector<16xi32>], vector<16xf32>, vector<16xi1>
      %eq3A_302 = arith.constant 9 : i32
      %eq3A_303 = vector.broadcast %eq3A_302 : i32 to vector<16xi32>
      %eq3A_304 = arith.cmpi eq, %iota3A, %eq3A_303 : vector<16xi32>
      tpu.vector_store_idx %arg11[%add3A_89], %get3A_104 masked %eq3A_304 : memref<128xi32, #tpu.memory_space<vmem>>[vector<16xi32>], vector<16xi32>, vector<16xi1>
      tpu.vector_store_idx %arg12[%add3A_89], %sub3A masked %eq3A_304 : memref<128xf32, #tpu.memory_space<vmem>>[vector<16xi32>], vector<16xf32>, vector<16xi1>
      tpu.vector_store_idx %arg13[%add3A_89], %sub3A_103 masked %eq3A_304 : memref<128xf32, #tpu.memory_space<vmem>>[vector<16xi32>], vector<16xf32>, vector<16xi1>
      %eq3A_305 = arith.constant 10 : i32
      %eq3A_306 = vector.broadcast %eq3A_305 : i32 to vector<16xi32>
      %eq3A_307 = arith.cmpi eq, %iota3A, %eq3A_306 : vector<16xi32>
      tpu.vector_store_idx %arg11[%add3A_89], %get3A_104 masked %eq3A_307 : memref<128xi32, #tpu.memory_space<vmem>>[vector<16xi32>], vector<16xi32>, vector<16xi1>
      tpu.vector_store_idx %arg12[%add3A_89], %sub3A masked %eq3A_307 : memref<128xf32, #tpu.memory_space<vmem>>[vector<16xi32>], vector<16xf32>, vector<16xi1>
      tpu.vector_store_idx %arg13[%add3A_89], %sub3A_103 masked %eq3A_307 : memref<128xf32, #tpu.memory_space<vmem>>[vector<16xi32>], vector<16xf32>, vector<16xi1>
      %eq3A_308 = arith.constant 11 : i32
      %eq3A_309 = vector.broadcast %eq3A_308 : i32 to vector<16xi32>
      %eq3A_310 = arith.cmpi eq, %iota3A, %eq3A_309 : vector<16xi32>
      tpu.vector_store_idx %arg11[%add3A_89], %get3A_104 masked %eq3A_310 : memref<128xi32, #tpu.memory_space<vmem>>[vector<16xi32>], vector<16xi32>, vector<16xi1>
      tpu.vector_store_idx %arg12[%add3A_89], %sub3A masked %eq3A_310 : memref<128xf32, #tpu.memory_space<vmem>>[vector<16xi32>], vector<16xf32>, vector<16xi1>
      tpu.vector_store_idx %arg13[%add3A_89], %sub3A_103 masked %eq3A_310 : memref<128xf32, #tpu.memory_space<vmem>>[vector<16xi32>], vector<16xf32>, vector<16xi1>
      %eq3A_311 = arith.constant 12 : i32
      %eq3A_312 = vector.broadcast %eq3A_311 : i32 to vector<16xi32>
      %eq3A_313 = arith.cmpi eq, %iota3A, %eq3A_312 : vector<16xi32>
      tpu.vector_store_idx %arg11[%add3A_89], %get3A_104 masked %eq3A_313 : memref<128xi32, #tpu.memory_space<vmem>>[vector<16xi32>], vector<16xi32>, vector<16xi1>
      tpu.vector_store_idx %arg12[%add3A_89], %sub3A masked %eq3A_313 : memref<128xf32, #tpu.memory_space<vmem>>[vector<16xi32>], vector<16xf32>, vector<16xi1>
      tpu.vector_store_idx %arg13[%add3A_89], %sub3A_103 masked %eq3A_313 : memref<128xf32, #tpu.memory_space<vmem>>[vector<16xi32>], vector<16xf32>, vector<16xi1>
      %eq3A_314 = arith.constant 13 : i32
      %eq3A_315 = vector.broadcast %eq3A_314 : i32 to vector<16xi32>
      %eq3A_316 = arith.cmpi eq, %iota3A, %eq3A_315 : vector<16xi32>
      tpu.vector_store_idx %arg11[%add3A_89], %get3A_104 masked %eq3A_316 : memref<128xi32, #tpu.memory_space<vmem>>[vector<16xi32>], vector<16xi32>, vector<16xi1>
      tpu.vector_store_idx %arg12[%add3A_89], %sub3A masked %eq3A_316 : memref<128xf32, #tpu.memory_space<vmem>>[vector<16xi32>], vector<16xf32>, vector<16xi1>
      tpu.vector_store_idx %arg13[%add3A_89], %sub3A_103 masked %eq3A_316 : memref<128xf32, #tpu.memory_space<vmem>>[vector<16xi32>], vector<16xf32>, vector<16xi1>
      %eq3A_317 = arith.constant 14 : i32
      %eq3A_318 = vector.broadcast %eq3A_317 : i32 to vector<16xi32>
      %eq3A_319 = arith.cmpi eq, %iota3A, %eq3A_318 : vector<16xi32>
      tpu.vector_store_idx %arg11[%add3A_89], %get3A_104 masked %eq3A_319 : memref<128xi32, #tpu.memory_space<vmem>>[vector<16xi32>], vector<16xi32>, vector<16xi1>
      tpu.vector_store_idx %arg12[%add3A_89], %sub3A masked %eq3A_319 : memref<128xf32, #tpu.memory_space<vmem>>[vector<16xi32>], vector<16xf32>, vector<16xi1>
      tpu.vector_store_idx %arg13[%add3A_89], %sub3A_103 masked %eq3A_319 : memref<128xf32, #tpu.memory_space<vmem>>[vector<16xi32>], vector<16xf32>, vector<16xi1>
      %eq3A_320 = arith.constant 15 : i32
      %eq3A_321 = vector.broadcast %eq3A_320 : i32 to vector<16xi32>
      %eq3A_322 = arith.cmpi eq, %iota3A, %eq3A_321 : vector<16xi32>
      tpu.vector_store_idx %arg11[%add3A_89], %get3A_104 masked %eq3A_322 : memref<128xi32, #tpu.memory_space<vmem>>[vector<16xi32>], vector<16xi32>, vector<16xi1>
      tpu.vector_store_idx %arg12[%add3A_89], %sub3A masked %eq3A_322 : memref<128xf32, #tpu.memory_space<vmem>>[vector<16xi32>], vector<16xf32>, vector<16xi1>
      tpu.vector_store_idx %arg13[%add3A_89], %sub3A_103 masked %eq3A_322 : memref<128xf32, #tpu.memory_space<vmem>>[vector<16xi32>], vector<16xf32>, vector<16xi1>
      %eq3A_323 = arith.constant 0 : i32
      %eq3A_324 = vector.broadcast %eq3A_323 : i32 to vector<16xi32>
      %eq3A_325 = arith.cmpi eq, %iota3A, %eq3A_324 : vector<16xi32>
      tpu.vector_store_idx %arg11[%add3A_144], %get3A_161 masked %eq3A_325 : memref<128xi32, #tpu.memory_space<vmem>>[vector<16xi32>], vector<16xi32>, vector<16xi1>
      tpu.vector_store_idx %arg12[%add3A_144], %sub3A_157 masked %eq3A_325 : memref<128xf32, #tpu.memory_space<vmem>>[vector<16xi32>], vector<16xf32>, vector<16xi1>
      tpu.vector_store_idx %arg13[%add3A_144], %sub3A_159 masked %eq3A_325 : memref<128xf32, #tpu.memory_space<vmem>>[vector<16xi32>], vector<16xf32>, vector<16xi1>
      %eq3A_326 = arith.constant 1 : i32
      %eq3A_327 = vector.broadcast %eq3A_326 : i32 to vector<16xi32>
      %eq3A_328 = arith.cmpi eq, %iota3A, %eq3A_327 : vector<16xi32>
      tpu.vector_store_idx %arg11[%add3A_144], %get3A_161 masked %eq3A_328 : memref<128xi32, #tpu.memory_space<vmem>>[vector<16xi32>], vector<16xi32>, vector<16xi1>
      tpu.vector_store_idx %arg12[%add3A_144], %sub3A_157 masked %eq3A_328 : memref<128xf32, #tpu.memory_space<vmem>>[vector<16xi32>], vector<16xf32>, vector<16xi1>
      tpu.vector_store_idx %arg13[%add3A_144], %sub3A_159 masked %eq3A_328 : memref<128xf32, #tpu.memory_space<vmem>>[vector<16xi32>], vector<16xf32>, vector<16xi1>
      %eq3A_329 = arith.constant 2 : i32
      %eq3A_330 = vector.broadcast %eq3A_329 : i32 to vector<16xi32>
      %eq3A_331 = arith.cmpi eq, %iota3A, %eq3A_330 : vector<16xi32>
      tpu.vector_store_idx %arg11[%add3A_144], %get3A_161 masked %eq3A_331 : memref<128xi32, #tpu.memory_space<vmem>>[vector<16xi32>], vector<16xi32>, vector<16xi1>
      tpu.vector_store_idx %arg12[%add3A_144], %sub3A_157 masked %eq3A_331 : memref<128xf32, #tpu.memory_space<vmem>>[vector<16xi32>], vector<16xf32>, vector<16xi1>
      tpu.vector_store_idx %arg13[%add3A_144], %sub3A_159 masked %eq3A_331 : memref<128xf32, #tpu.memory_space<vmem>>[vector<16xi32>], vector<16xf32>, vector<16xi1>
      %eq3A_332 = arith.constant 3 : i32
      %eq3A_333 = vector.broadcast %eq3A_332 : i32 to vector<16xi32>
      %eq3A_334 = arith.cmpi eq, %iota3A, %eq3A_333 : vector<16xi32>
      tpu.vector_store_idx %arg11[%add3A_144], %get3A_161 masked %eq3A_334 : memref<128xi32, #tpu.memory_space<vmem>>[vector<16xi32>], vector<16xi32>, vector<16xi1>
      tpu.vector_store_idx %arg12[%add3A_144], %sub3A_157 masked %eq3A_334 : memref<128xf32, #tpu.memory_space<vmem>>[vector<16xi32>], vector<16xf32>, vector<16xi1>
      tpu.vector_store_idx %arg13[%add3A_144], %sub3A_159 masked %eq3A_334 : memref<128xf32, #tpu.memory_space<vmem>>[vector<16xi32>], vector<16xf32>, vector<16xi1>
      %eq3A_335 = arith.constant 4 : i32
      %eq3A_336 = vector.broadcast %eq3A_335 : i32 to vector<16xi32>
      %eq3A_337 = arith.cmpi eq, %iota3A, %eq3A_336 : vector<16xi32>
      tpu.vector_store_idx %arg11[%add3A_144], %get3A_161 masked %eq3A_337 : memref<128xi32, #tpu.memory_space<vmem>>[vector<16xi32>], vector<16xi32>, vector<16xi1>
      tpu.vector_store_idx %arg12[%add3A_144], %sub3A_157 masked %eq3A_337 : memref<128xf32, #tpu.memory_space<vmem>>[vector<16xi32>], vector<16xf32>, vector<16xi1>
      tpu.vector_store_idx %arg13[%add3A_144], %sub3A_159 masked %eq3A_337 : memref<128xf32, #tpu.memory_space<vmem>>[vector<16xi32>], vector<16xf32>, vector<16xi1>
      %eq3A_338 = arith.constant 5 : i32
      %eq3A_339 = vector.broadcast %eq3A_338 : i32 to vector<16xi32>
      %eq3A_340 = arith.cmpi eq, %iota3A, %eq3A_339 : vector<16xi32>
      tpu.vector_store_idx %arg11[%add3A_144], %get3A_161 masked %eq3A_340 : memref<128xi32, #tpu.memory_space<vmem>>[vector<16xi32>], vector<16xi32>, vector<16xi1>
      tpu.vector_store_idx %arg12[%add3A_144], %sub3A_157 masked %eq3A_340 : memref<128xf32, #tpu.memory_space<vmem>>[vector<16xi32>], vector<16xf32>, vector<16xi1>
      tpu.vector_store_idx %arg13[%add3A_144], %sub3A_159 masked %eq3A_340 : memref<128xf32, #tpu.memory_space<vmem>>[vector<16xi32>], vector<16xf32>, vector<16xi1>
      %eq3A_341 = arith.constant 6 : i32
      %eq3A_342 = vector.broadcast %eq3A_341 : i32 to vector<16xi32>
      %eq3A_343 = arith.cmpi eq, %iota3A, %eq3A_342 : vector<16xi32>
      tpu.vector_store_idx %arg11[%add3A_144], %get3A_161 masked %eq3A_343 : memref<128xi32, #tpu.memory_space<vmem>>[vector<16xi32>], vector<16xi32>, vector<16xi1>
      tpu.vector_store_idx %arg12[%add3A_144], %sub3A_157 masked %eq3A_343 : memref<128xf32, #tpu.memory_space<vmem>>[vector<16xi32>], vector<16xf32>, vector<16xi1>
      tpu.vector_store_idx %arg13[%add3A_144], %sub3A_159 masked %eq3A_343 : memref<128xf32, #tpu.memory_space<vmem>>[vector<16xi32>], vector<16xf32>, vector<16xi1>
      %eq3A_344 = arith.constant 7 : i32
      %eq3A_345 = vector.broadcast %eq3A_344 : i32 to vector<16xi32>
      %eq3A_346 = arith.cmpi eq, %iota3A, %eq3A_345 : vector<16xi32>
      tpu.vector_store_idx %arg11[%add3A_144], %get3A_161 masked %eq3A_346 : memref<128xi32, #tpu.memory_space<vmem>>[vector<16xi32>], vector<16xi32>, vector<16xi1>
      tpu.vector_store_idx %arg12[%add3A_144], %sub3A_157 masked %eq3A_346 : memref<128xf32, #tpu.memory_space<vmem>>[vector<16xi32>], vector<16xf32>, vector<16xi1>
      tpu.vector_store_idx %arg13[%add3A_144], %sub3A_159 masked %eq3A_346 : memref<128xf32, #tpu.memory_space<vmem>>[vector<16xi32>], vector<16xf32>, vector<16xi1>
      %eq3A_347 = arith.constant 8 : i32
      %eq3A_348 = vector.broadcast %eq3A_347 : i32 to vector<16xi32>
      %eq3A_349 = arith.cmpi eq, %iota3A, %eq3A_348 : vector<16xi32>
      tpu.vector_store_idx %arg11[%add3A_144], %get3A_161 masked %eq3A_349 : memref<128xi32, #tpu.memory_space<vmem>>[vector<16xi32>], vector<16xi32>, vector<16xi1>
      tpu.vector_store_idx %arg12[%add3A_144], %sub3A_157 masked %eq3A_349 : memref<128xf32, #tpu.memory_space<vmem>>[vector<16xi32>], vector<16xf32>, vector<16xi1>
      tpu.vector_store_idx %arg13[%add3A_144], %sub3A_159 masked %eq3A_349 : memref<128xf32, #tpu.memory_space<vmem>>[vector<16xi32>], vector<16xf32>, vector<16xi1>
      %eq3A_350 = arith.constant 9 : i32
      %eq3A_351 = vector.broadcast %eq3A_350 : i32 to vector<16xi32>
      %eq3A_352 = arith.cmpi eq, %iota3A, %eq3A_351 : vector<16xi32>
      tpu.vector_store_idx %arg11[%add3A_144], %get3A_161 masked %eq3A_352 : memref<128xi32, #tpu.memory_space<vmem>>[vector<16xi32>], vector<16xi32>, vector<16xi1>
      tpu.vector_store_idx %arg12[%add3A_144], %sub3A_157 masked %eq3A_352 : memref<128xf32, #tpu.memory_space<vmem>>[vector<16xi32>], vector<16xf32>, vector<16xi1>
      tpu.vector_store_idx %arg13[%add3A_144], %sub3A_159 masked %eq3A_352 : memref<128xf32, #tpu.memory_space<vmem>>[vector<16xi32>], vector<16xf32>, vector<16xi1>
      %eq3A_353 = arith.constant 10 : i32
      %eq3A_354 = vector.broadcast %eq3A_353 : i32 to vector<16xi32>
      %eq3A_355 = arith.cmpi eq, %iota3A, %eq3A_354 : vector<16xi32>
      tpu.vector_store_idx %arg11[%add3A_144], %get3A_161 masked %eq3A_355 : memref<128xi32, #tpu.memory_space<vmem>>[vector<16xi32>], vector<16xi32>, vector<16xi1>
      tpu.vector_store_idx %arg12[%add3A_144], %sub3A_157 masked %eq3A_355 : memref<128xf32, #tpu.memory_space<vmem>>[vector<16xi32>], vector<16xf32>, vector<16xi1>
      tpu.vector_store_idx %arg13[%add3A_144], %sub3A_159 masked %eq3A_355 : memref<128xf32, #tpu.memory_space<vmem>>[vector<16xi32>], vector<16xf32>, vector<16xi1>
      %eq3A_356 = arith.constant 11 : i32
      %eq3A_357 = vector.broadcast %eq3A_356 : i32 to vector<16xi32>
      %eq3A_358 = arith.cmpi eq, %iota3A, %eq3A_357 : vector<16xi32>
      tpu.vector_store_idx %arg11[%add3A_144], %get3A_161 masked %eq3A_358 : memref<128xi32, #tpu.memory_space<vmem>>[vector<16xi32>], vector<16xi32>, vector<16xi1>
      tpu.vector_store_idx %arg12[%add3A_144], %sub3A_157 masked %eq3A_358 : memref<128xf32, #tpu.memory_space<vmem>>[vector<16xi32>], vector<16xf32>, vector<16xi1>
      tpu.vector_store_idx %arg13[%add3A_144], %sub3A_159 masked %eq3A_358 : memref<128xf32, #tpu.memory_space<vmem>>[vector<16xi32>], vector<16xf32>, vector<16xi1>
      %eq3A_359 = arith.constant 12 : i32
      %eq3A_360 = vector.broadcast %eq3A_359 : i32 to vector<16xi32>
      %eq3A_361 = arith.cmpi eq, %iota3A, %eq3A_360 : vector<16xi32>
      tpu.vector_store_idx %arg11[%add3A_144], %get3A_161 masked %eq3A_361 : memref<128xi32, #tpu.memory_space<vmem>>[vector<16xi32>], vector<16xi32>, vector<16xi1>
      tpu.vector_store_idx %arg12[%add3A_144], %sub3A_157 masked %eq3A_361 : memref<128xf32, #tpu.memory_space<vmem>>[vector<16xi32>], vector<16xf32>, vector<16xi1>
      tpu.vector_store_idx %arg13[%add3A_144], %sub3A_159 masked %eq3A_361 : memref<128xf32, #tpu.memory_space<vmem>>[vector<16xi32>], vector<16xf32>, vector<16xi1>
      %eq3A_362 = arith.constant 13 : i32
      %eq3A_363 = vector.broadcast %eq3A_362 : i32 to vector<16xi32>
      %eq3A_364 = arith.cmpi eq, %iota3A, %eq3A_363 : vector<16xi32>
      tpu.vector_store_idx %arg11[%add3A_144], %get3A_161 masked %eq3A_364 : memref<128xi32, #tpu.memory_space<vmem>>[vector<16xi32>], vector<16xi32>, vector<16xi1>
      tpu.vector_store_idx %arg12[%add3A_144], %sub3A_157 masked %eq3A_364 : memref<128xf32, #tpu.memory_space<vmem>>[vector<16xi32>], vector<16xf32>, vector<16xi1>
      tpu.vector_store_idx %arg13[%add3A_144], %sub3A_159 masked %eq3A_364 : memref<128xf32, #tpu.memory_space<vmem>>[vector<16xi32>], vector<16xf32>, vector<16xi1>
      %eq3A_365 = arith.constant 14 : i32
      %eq3A_366 = vector.broadcast %eq3A_365 : i32 to vector<16xi32>
      %eq3A_367 = arith.cmpi eq, %iota3A, %eq3A_366 : vector<16xi32>
      tpu.vector_store_idx %arg11[%add3A_144], %get3A_161 masked %eq3A_367 : memref<128xi32, #tpu.memory_space<vmem>>[vector<16xi32>], vector<16xi32>, vector<16xi1>
      tpu.vector_store_idx %arg12[%add3A_144], %sub3A_157 masked %eq3A_367 : memref<128xf32, #tpu.memory_space<vmem>>[vector<16xi32>], vector<16xf32>, vector<16xi1>
      tpu.vector_store_idx %arg13[%add3A_144], %sub3A_159 masked %eq3A_367 : memref<128xf32, #tpu.memory_space<vmem>>[vector<16xi32>], vector<16xf32>, vector<16xi1>
      %eq3A_368 = arith.constant 15 : i32
      %eq3A_369 = vector.broadcast %eq3A_368 : i32 to vector<16xi32>
      %eq3A_370 = arith.cmpi eq, %iota3A, %eq3A_369 : vector<16xi32>
      tpu.vector_store_idx %arg11[%add3A_144], %get3A_161 masked %eq3A_370 : memref<128xi32, #tpu.memory_space<vmem>>[vector<16xi32>], vector<16xi32>, vector<16xi1>
      tpu.vector_store_idx %arg12[%add3A_144], %sub3A_157 masked %eq3A_370 : memref<128xf32, #tpu.memory_space<vmem>>[vector<16xi32>], vector<16xf32>, vector<16xi1>
      tpu.vector_store_idx %arg13[%add3A_144], %sub3A_159 masked %eq3A_370 : memref<128xf32, #tpu.memory_space<vmem>>[vector<16xi32>], vector<16xf32>, vector<16xi1>
      %eq3A_371 = arith.constant 0 : i32
      %eq3A_372 = vector.broadcast %eq3A_371 : i32 to vector<16xi32>
      %eq3A_373 = arith.cmpi eq, %iota3A, %eq3A_372 : vector<16xi32>
      tpu.vector_store_idx %arg11[%add3A_201], %get3A_218 masked %eq3A_373 : memref<128xi32, #tpu.memory_space<vmem>>[vector<16xi32>], vector<16xi32>, vector<16xi1>
      tpu.vector_store_idx %arg12[%add3A_201], %sub3A_214 masked %eq3A_373 : memref<128xf32, #tpu.memory_space<vmem>>[vector<16xi32>], vector<16xf32>, vector<16xi1>
      tpu.vector_store_idx %arg13[%add3A_201], %sub3A_216 masked %eq3A_373 : memref<128xf32, #tpu.memory_space<vmem>>[vector<16xi32>], vector<16xf32>, vector<16xi1>
      %eq3A_374 = arith.constant 1 : i32
      %eq3A_375 = vector.broadcast %eq3A_374 : i32 to vector<16xi32>
      %eq3A_376 = arith.cmpi eq, %iota3A, %eq3A_375 : vector<16xi32>
      tpu.vector_store_idx %arg11[%add3A_201], %get3A_218 masked %eq3A_376 : memref<128xi32, #tpu.memory_space<vmem>>[vector<16xi32>], vector<16xi32>, vector<16xi1>
      tpu.vector_store_idx %arg12[%add3A_201], %sub3A_214 masked %eq3A_376 : memref<128xf32, #tpu.memory_space<vmem>>[vector<16xi32>], vector<16xf32>, vector<16xi1>
      tpu.vector_store_idx %arg13[%add3A_201], %sub3A_216 masked %eq3A_376 : memref<128xf32, #tpu.memory_space<vmem>>[vector<16xi32>], vector<16xf32>, vector<16xi1>
      %eq3A_377 = arith.constant 2 : i32
      %eq3A_378 = vector.broadcast %eq3A_377 : i32 to vector<16xi32>
      %eq3A_379 = arith.cmpi eq, %iota3A, %eq3A_378 : vector<16xi32>
      tpu.vector_store_idx %arg11[%add3A_201], %get3A_218 masked %eq3A_379 : memref<128xi32, #tpu.memory_space<vmem>>[vector<16xi32>], vector<16xi32>, vector<16xi1>
      tpu.vector_store_idx %arg12[%add3A_201], %sub3A_214 masked %eq3A_379 : memref<128xf32, #tpu.memory_space<vmem>>[vector<16xi32>], vector<16xf32>, vector<16xi1>
      tpu.vector_store_idx %arg13[%add3A_201], %sub3A_216 masked %eq3A_379 : memref<128xf32, #tpu.memory_space<vmem>>[vector<16xi32>], vector<16xf32>, vector<16xi1>
      %eq3A_380 = arith.constant 3 : i32
      %eq3A_381 = vector.broadcast %eq3A_380 : i32 to vector<16xi32>
      %eq3A_382 = arith.cmpi eq, %iota3A, %eq3A_381 : vector<16xi32>
      tpu.vector_store_idx %arg11[%add3A_201], %get3A_218 masked %eq3A_382 : memref<128xi32, #tpu.memory_space<vmem>>[vector<16xi32>], vector<16xi32>, vector<16xi1>
      tpu.vector_store_idx %arg12[%add3A_201], %sub3A_214 masked %eq3A_382 : memref<128xf32, #tpu.memory_space<vmem>>[vector<16xi32>], vector<16xf32>, vector<16xi1>
      tpu.vector_store_idx %arg13[%add3A_201], %sub3A_216 masked %eq3A_382 : memref<128xf32, #tpu.memory_space<vmem>>[vector<16xi32>], vector<16xf32>, vector<16xi1>
      %eq3A_383 = arith.constant 4 : i32
      %eq3A_384 = vector.broadcast %eq3A_383 : i32 to vector<16xi32>
      %eq3A_385 = arith.cmpi eq, %iota3A, %eq3A_384 : vector<16xi32>
      tpu.vector_store_idx %arg11[%add3A_201], %get3A_218 masked %eq3A_385 : memref<128xi32, #tpu.memory_space<vmem>>[vector<16xi32>], vector<16xi32>, vector<16xi1>
      tpu.vector_store_idx %arg12[%add3A_201], %sub3A_214 masked %eq3A_385 : memref<128xf32, #tpu.memory_space<vmem>>[vector<16xi32>], vector<16xf32>, vector<16xi1>
      tpu.vector_store_idx %arg13[%add3A_201], %sub3A_216 masked %eq3A_385 : memref<128xf32, #tpu.memory_space<vmem>>[vector<16xi32>], vector<16xf32>, vector<16xi1>
      %eq3A_386 = arith.constant 5 : i32
      %eq3A_387 = vector.broadcast %eq3A_386 : i32 to vector<16xi32>
      %eq3A_388 = arith.cmpi eq, %iota3A, %eq3A_387 : vector<16xi32>
      tpu.vector_store_idx %arg11[%add3A_201], %get3A_218 masked %eq3A_388 : memref<128xi32, #tpu.memory_space<vmem>>[vector<16xi32>], vector<16xi32>, vector<16xi1>
      tpu.vector_store_idx %arg12[%add3A_201], %sub3A_214 masked %eq3A_388 : memref<128xf32, #tpu.memory_space<vmem>>[vector<16xi32>], vector<16xf32>, vector<16xi1>
      tpu.vector_store_idx %arg13[%add3A_201], %sub3A_216 masked %eq3A_388 : memref<128xf32, #tpu.memory_space<vmem>>[vector<16xi32>], vector<16xf32>, vector<16xi1>
      %eq3A_389 = arith.constant 6 : i32
      %eq3A_390 = vector.broadcast %eq3A_389 : i32 to vector<16xi32>
      %eq3A_391 = arith.cmpi eq, %iota3A, %eq3A_390 : vector<16xi32>
      tpu.vector_store_idx %arg11[%add3A_201], %get3A_218 masked %eq3A_391 : memref<128xi32, #tpu.memory_space<vmem>>[vector<16xi32>], vector<16xi32>, vector<16xi1>
      tpu.vector_store_idx %arg12[%add3A_201], %sub3A_214 masked %eq3A_391 : memref<128xf32, #tpu.memory_space<vmem>>[vector<16xi32>], vector<16xf32>, vector<16xi1>
      tpu.vector_store_idx %arg13[%add3A_201], %sub3A_216 masked %eq3A_391 : memref<128xf32, #tpu.memory_space<vmem>>[vector<16xi32>], vector<16xf32>, vector<16xi1>
      %eq3A_392 = arith.constant 7 : i32
      %eq3A_393 = vector.broadcast %eq3A_392 : i32 to vector<16xi32>
      %eq3A_394 = arith.cmpi eq, %iota3A, %eq3A_393 : vector<16xi32>
      tpu.vector_store_idx %arg11[%add3A_201], %get3A_218 masked %eq3A_394 : memref<128xi32, #tpu.memory_space<vmem>>[vector<16xi32>], vector<16xi32>, vector<16xi1>
      tpu.vector_store_idx %arg12[%add3A_201], %sub3A_214 masked %eq3A_394 : memref<128xf32, #tpu.memory_space<vmem>>[vector<16xi32>], vector<16xf32>, vector<16xi1>
      tpu.vector_store_idx %arg13[%add3A_201], %sub3A_216 masked %eq3A_394 : memref<128xf32, #tpu.memory_space<vmem>>[vector<16xi32>], vector<16xf32>, vector<16xi1>
      %eq3A_395 = arith.constant 8 : i32
      %eq3A_396 = vector.broadcast %eq3A_395 : i32 to vector<16xi32>
      %eq3A_397 = arith.cmpi eq, %iota3A, %eq3A_396 : vector<16xi32>
      tpu.vector_store_idx %arg11[%add3A_201], %get3A_218 masked %eq3A_397 : memref<128xi32, #tpu.memory_space<vmem>>[vector<16xi32>], vector<16xi32>, vector<16xi1>
      tpu.vector_store_idx %arg12[%add3A_201], %sub3A_214 masked %eq3A_397 : memref<128xf32, #tpu.memory_space<vmem>>[vector<16xi32>], vector<16xf32>, vector<16xi1>
      tpu.vector_store_idx %arg13[%add3A_201], %sub3A_216 masked %eq3A_397 : memref<128xf32, #tpu.memory_space<vmem>>[vector<16xi32>], vector<16xf32>, vector<16xi1>
      %eq3A_398 = arith.constant 9 : i32
      %eq3A_399 = vector.broadcast %eq3A_398 : i32 to vector<16xi32>
      %eq3A_400 = arith.cmpi eq, %iota3A, %eq3A_399 : vector<16xi32>
      tpu.vector_store_idx %arg11[%add3A_201], %get3A_218 masked %eq3A_400 : memref<128xi32, #tpu.memory_space<vmem>>[vector<16xi32>], vector<16xi32>, vector<16xi1>
      tpu.vector_store_idx %arg12[%add3A_201], %sub3A_214 masked %eq3A_400 : memref<128xf32, #tpu.memory_space<vmem>>[vector<16xi32>], vector<16xf32>, vector<16xi1>
      tpu.vector_store_idx %arg13[%add3A_201], %sub3A_216 masked %eq3A_400 : memref<128xf32, #tpu.memory_space<vmem>>[vector<16xi32>], vector<16xf32>, vector<16xi1>
      %eq3A_401 = arith.constant 10 : i32
      %eq3A_402 = vector.broadcast %eq3A_401 : i32 to vector<16xi32>
      %eq3A_403 = arith.cmpi eq, %iota3A, %eq3A_402 : vector<16xi32>
      tpu.vector_store_idx %arg11[%add3A_201], %get3A_218 masked %eq3A_403 : memref<128xi32, #tpu.memory_space<vmem>>[vector<16xi32>], vector<16xi32>, vector<16xi1>
      tpu.vector_store_idx %arg12[%add3A_201], %sub3A_214 masked %eq3A_403 : memref<128xf32, #tpu.memory_space<vmem>>[vector<16xi32>], vector<16xf32>, vector<16xi1>
      tpu.vector_store_idx %arg13[%add3A_201], %sub3A_216 masked %eq3A_403 : memref<128xf32, #tpu.memory_space<vmem>>[vector<16xi32>], vector<16xf32>, vector<16xi1>
      %eq3A_404 = arith.constant 11 : i32
      %eq3A_405 = vector.broadcast %eq3A_404 : i32 to vector<16xi32>
      %eq3A_406 = arith.cmpi eq, %iota3A, %eq3A_405 : vector<16xi32>
      tpu.vector_store_idx %arg11[%add3A_201], %get3A_218 masked %eq3A_406 : memref<128xi32, #tpu.memory_space<vmem>>[vector<16xi32>], vector<16xi32>, vector<16xi1>
      tpu.vector_store_idx %arg12[%add3A_201], %sub3A_214 masked %eq3A_406 : memref<128xf32, #tpu.memory_space<vmem>>[vector<16xi32>], vector<16xf32>, vector<16xi1>
      tpu.vector_store_idx %arg13[%add3A_201], %sub3A_216 masked %eq3A_406 : memref<128xf32, #tpu.memory_space<vmem>>[vector<16xi32>], vector<16xf32>, vector<16xi1>
      %eq3A_407 = arith.constant 12 : i32
      %eq3A_408 = vector.broadcast %eq3A_407 : i32 to vector<16xi32>
      %eq3A_409 = arith.cmpi eq, %iota3A, %eq3A_408 : vector<16xi32>
      tpu.vector_store_idx %arg11[%add3A_201], %get3A_218 masked %eq3A_409 : memref<128xi32, #tpu.memory_space<vmem>>[vector<16xi32>], vector<16xi32>, vector<16xi1>
      tpu.vector_store_idx %arg12[%add3A_201], %sub3A_214 masked %eq3A_409 : memref<128xf32, #tpu.memory_space<vmem>>[vector<16xi32>], vector<16xf32>, vector<16xi1>
      tpu.vector_store_idx %arg13[%add3A_201], %sub3A_216 masked %eq3A_409 : memref<128xf32, #tpu.memory_space<vmem>>[vector<16xi32>], vector<16xf32>, vector<16xi1>
      %eq3A_410 = arith.constant 13 : i32
      %eq3A_411 = vector.broadcast %eq3A_410 : i32 to vector<16xi32>
      %eq3A_412 = arith.cmpi eq, %iota3A, %eq3A_411 : vector<16xi32>
      tpu.vector_store_idx %arg11[%add3A_201], %get3A_218 masked %eq3A_412 : memref<128xi32, #tpu.memory_space<vmem>>[vector<16xi32>], vector<16xi32>, vector<16xi1>
      tpu.vector_store_idx %arg12[%add3A_201], %sub3A_214 masked %eq3A_412 : memref<128xf32, #tpu.memory_space<vmem>>[vector<16xi32>], vector<16xf32>, vector<16xi1>
      tpu.vector_store_idx %arg13[%add3A_201], %sub3A_216 masked %eq3A_412 : memref<128xf32, #tpu.memory_space<vmem>>[vector<16xi32>], vector<16xf32>, vector<16xi1>
      %eq3A_413 = arith.constant 14 : i32
      %eq3A_414 = vector.broadcast %eq3A_413 : i32 to vector<16xi32>
      %eq3A_415 = arith.cmpi eq, %iota3A, %eq3A_414 : vector<16xi32>
      tpu.vector_store_idx %arg11[%add3A_201], %get3A_218 masked %eq3A_415 : memref<128xi32, #tpu.memory_space<vmem>>[vector<16xi32>], vector<16xi32>, vector<16xi1>
      tpu.vector_store_idx %arg12[%add3A_201], %sub3A_214 masked %eq3A_415 : memref<128xf32, #tpu.memory_space<vmem>>[vector<16xi32>], vector<16xf32>, vector<16xi1>
      tpu.vector_store_idx %arg13[%add3A_201], %sub3A_216 masked %eq3A_415 : memref<128xf32, #tpu.memory_space<vmem>>[vector<16xi32>], vector<16xf32>, vector<16xi1>
      %eq3A_416 = arith.constant 15 : i32
      %eq3A_417 = vector.broadcast %eq3A_416 : i32 to vector<16xi32>
      %eq3A_418 = arith.cmpi eq, %iota3A, %eq3A_417 : vector<16xi32>
      tpu.vector_store_idx %arg11[%add3A_201], %get3A_218 masked %eq3A_418 : memref<128xi32, #tpu.memory_space<vmem>>[vector<16xi32>], vector<16xi32>, vector<16xi1>
      tpu.vector_store_idx %arg12[%add3A_201], %sub3A_214 masked %eq3A_418 : memref<128xf32, #tpu.memory_space<vmem>>[vector<16xi32>], vector<16xf32>, vector<16xi1>
      tpu.vector_store_idx %arg13[%add3A_201], %sub3A_216 masked %eq3A_418 : memref<128xf32, #tpu.memory_space<vmem>>[vector<16xi32>], vector<16xf32>, vector<16xi1>
      %eq3A_419 = arith.constant 0 : i32
      %eq3A_420 = vector.broadcast %eq3A_419 : i32 to vector<16xi32>
      %eq3A_421 = arith.cmpi eq, %iota3A, %eq3A_420 : vector<16xi32>
      tpu.vector_store_idx %arg11[%add3A_258], %get3A_275 masked %eq3A_421 : memref<128xi32, #tpu.memory_space<vmem>>[vector<16xi32>], vector<16xi32>, vector<16xi1>
      tpu.vector_store_idx %arg12[%add3A_258], %sub3A_271 masked %eq3A_421 : memref<128xf32, #tpu.memory_space<vmem>>[vector<16xi32>], vector<16xf32>, vector<16xi1>
      tpu.vector_store_idx %arg13[%add3A_258], %sub3A_273 masked %eq3A_421 : memref<128xf32, #tpu.memory_space<vmem>>[vector<16xi32>], vector<16xf32>, vector<16xi1>
      %eq3A_422 = arith.constant 1 : i32
      %eq3A_423 = vector.broadcast %eq3A_422 : i32 to vector<16xi32>
      %eq3A_424 = arith.cmpi eq, %iota3A, %eq3A_423 : vector<16xi32>
      tpu.vector_store_idx %arg11[%add3A_258], %get3A_275 masked %eq3A_424 : memref<128xi32, #tpu.memory_space<vmem>>[vector<16xi32>], vector<16xi32>, vector<16xi1>
      tpu.vector_store_idx %arg12[%add3A_258], %sub3A_271 masked %eq3A_424 : memref<128xf32, #tpu.memory_space<vmem>>[vector<16xi32>], vector<16xf32>, vector<16xi1>
      tpu.vector_store_idx %arg13[%add3A_258], %sub3A_273 masked %eq3A_424 : memref<128xf32, #tpu.memory_space<vmem>>[vector<16xi32>], vector<16xf32>, vector<16xi1>
      %run_scoped3A = arith.constant 0 : i32
      "tpu.region"() ({
        %run_scoped3A_427 = tpu.sem_alloc : memref<!tpu.dma_semaphore, #tpu.memory_space<semaphore_mem>>
        %dma_start3A = arith.constant 0 : i32
        %dma_start3A_428 = tpu.memref_slice %arg5[%add3A, %run_scoped3A, %dma_start3A] : memref<8x1x128xi32, #tpu.memory_space<hbm>> -> memref<1x1x128xi32, #tpu.memory_space<hbm>>
        %dma_start3A_429 = tpu.memref_squeeze %dma_start3A_428 : memref<1x1x128xi32, #tpu.memory_space<hbm>> -> memref<128xi32, #tpu.memory_space<hbm>>
        %dma_start3A_430 = arith.constant 0 : i32
        %dma_start3A_431 = tpu.memref_slice %arg5[%add3A, %run_scoped3A, %dma_start3A_430] : memref<8x1x128xi32, #tpu.memory_space<hbm>> -> memref<1x1x128xi32, #tpu.memory_space<hbm>>
        %dma_start3A_432 = tpu.memref_squeeze %dma_start3A_431 : memref<1x1x128xi32, #tpu.memory_space<hbm>> -> memref<128xi32, #tpu.memory_space<hbm>>
        tpu.enqueue_dma source(%arg11 : memref<128xi32, #tpu.memory_space<vmem>>) target(%dma_start3A_432 : memref<128xi32, #tpu.memory_space<hbm>>) target_semaphore(%run_scoped3A_427 : memref<!tpu.dma_semaphore, #tpu.memory_space<semaphore_mem>>)
        %dma_wait3A = arith.constant 0 : i32
        %dma_wait3A_433 = tpu.memref_slice %arg5[%add3A, %run_scoped3A, %dma_wait3A] : memref<8x1x128xi32, #tpu.memory_space<hbm>> -> memref<1x1x128xi32, #tpu.memory_space<hbm>>
        %dma_wait3A_434 = tpu.memref_squeeze %dma_wait3A_433 : memref<1x1x128xi32, #tpu.memory_space<hbm>> -> memref<128xi32, #tpu.memory_space<hbm>>
        %dma_wait3A_435 = arith.constant 0 : i32
        %dma_wait3A_436 = tpu.memref_slice %arg5[%add3A, %run_scoped3A, %dma_wait3A_435] : memref<8x1x128xi32, #tpu.memory_space<hbm>> -> memref<1x1x128xi32, #tpu.memory_space<hbm>>
        %dma_wait3A_437 = tpu.memref_squeeze %dma_wait3A_436 : memref<1x1x128xi32, #tpu.memory_space<hbm>> -> memref<128xi32, #tpu.memory_space<hbm>>
        tpu.wait_dma2 semaphore(%run_scoped3A_427 : memref<!tpu.dma_semaphore, #tpu.memory_space<semaphore_mem>>) src(%arg11 : memref<128xi32, #tpu.memory_space<vmem>>) dst(%dma_wait3A_437 : memref<128xi32, #tpu.memory_space<hbm>>)
        tpu.yield
      }) : () -> ()
      %run_scoped3A_425 = arith.constant 0 : i32
      "tpu.region"() ({
        %run_scoped3A_427 = tpu.sem_alloc : memref<!tpu.dma_semaphore, #tpu.memory_space<semaphore_mem>>
        %dma_start3A = arith.constant 0 : i32
        %dma_start3A_428 = tpu.memref_slice %arg6[%add3A, %run_scoped3A_425, %dma_start3A] : memref<8x1x128xf32, #tpu.memory_space<hbm>> -> memref<1x1x128xf32, #tpu.memory_space<hbm>>
        %dma_start3A_429 = tpu.memref_squeeze %dma_start3A_428 : memref<1x1x128xf32, #tpu.memory_space<hbm>> -> memref<128xf32, #tpu.memory_space<hbm>>
        %dma_start3A_430 = arith.constant 0 : i32
        %dma_start3A_431 = tpu.memref_slice %arg6[%add3A, %run_scoped3A_425, %dma_start3A_430] : memref<8x1x128xf32, #tpu.memory_space<hbm>> -> memref<1x1x128xf32, #tpu.memory_space<hbm>>
        %dma_start3A_432 = tpu.memref_squeeze %dma_start3A_431 : memref<1x1x128xf32, #tpu.memory_space<hbm>> -> memref<128xf32, #tpu.memory_space<hbm>>
        tpu.enqueue_dma source(%arg12 : memref<128xf32, #tpu.memory_space<vmem>>) target(%dma_start3A_432 : memref<128xf32, #tpu.memory_space<hbm>>) target_semaphore(%run_scoped3A_427 : memref<!tpu.dma_semaphore, #tpu.memory_space<semaphore_mem>>)
        %dma_wait3A = arith.constant 0 : i32
        %dma_wait3A_433 = tpu.memref_slice %arg6[%add3A, %run_scoped3A_425, %dma_wait3A] : memref<8x1x128xf32, #tpu.memory_space<hbm>> -> memref<1x1x128xf32, #tpu.memory_space<hbm>>
        %dma_wait3A_434 = tpu.memref_squeeze %dma_wait3A_433 : memref<1x1x128xf32, #tpu.memory_space<hbm>> -> memref<128xf32, #tpu.memory_space<hbm>>
        %dma_wait3A_435 = arith.constant 0 : i32
        %dma_wait3A_436 = tpu.memref_slice %arg6[%add3A, %run_scoped3A_425, %dma_wait3A_435] : memref<8x1x128xf32, #tpu.memory_space<hbm>> -> memref<1x1x128xf32, #tpu.memory_space<hbm>>
        %dma_wait3A_437 = tpu.memref_squeeze %dma_wait3A_436 : memref<1x1x128xf32, #tpu.memory_space<hbm>> -> memref<128xf32, #tpu.memory_space<hbm>>
        tpu.wait_dma2 semaphore(%run_scoped3A_427 : memref<!tpu.dma_semaphore, #tpu.memory_space<semaphore_mem>>) src(%arg12 : memref<128xf32, #tpu.memory_space<vmem>>) dst(%dma_wait3A_437 : memref<128xf32, #tpu.memory_space<hbm>>)
        tpu.yield
      }) : () -> ()
      %run_scoped3A_426 = arith.constant 0 : i32
      "tpu.region"() ({
        %run_scoped3A_427 = tpu.sem_alloc : memref<!tpu.dma_semaphore, #tpu.memory_space<semaphore_mem>>
        %dma_start3A = arith.constant 0 : i32
        %dma_start3A_428 = tpu.memref_slice %arg7[%add3A, %run_scoped3A_426, %dma_start3A] : memref<8x1x128xf32, #tpu.memory_space<hbm>> -> memref<1x1x128xf32, #tpu.memory_space<hbm>>
        %dma_start3A_429 = tpu.memref_squeeze %dma_start3A_428 : memref<1x1x128xf32, #tpu.memory_space<hbm>> -> memref<128xf32, #tpu.memory_space<hbm>>
        %dma_start3A_430 = arith.constant 0 : i32
        %dma_start3A_431 = tpu.memref_slice %arg7[%add3A, %run_scoped3A_426, %dma_start3A_430] : memref<8x1x128xf32, #tpu.memory_space<hbm>> -> memref<1x1x128xf32, #tpu.memory_space<hbm>>
        %dma_start3A_432 = tpu.memref_squeeze %dma_start3A_431 : memref<1x1x128xf32, #tpu.memory_space<hbm>> -> memref<128xf32, #tpu.memory_space<hbm>>
        tpu.enqueue_dma source(%arg13 : memref<128xf32, #tpu.memory_space<vmem>>) target(%dma_start3A_432 : memref<128xf32, #tpu.memory_space<hbm>>) target_semaphore(%run_scoped3A_427 : memref<!tpu.dma_semaphore, #tpu.memory_space<semaphore_mem>>)
        %dma_wait3A = arith.constant 0 : i32
        %dma_wait3A_433 = tpu.memref_slice %arg7[%add3A, %run_scoped3A_426, %dma_wait3A] : memref<8x1x128xf32, #tpu.memory_space<hbm>> -> memref<1x1x128xf32, #tpu.memory_space<hbm>>
        %dma_wait3A_434 = tpu.memref_squeeze %dma_wait3A_433 : memref<1x1x128xf32, #tpu.memory_space<hbm>> -> memref<128xf32, #tpu.memory_space<hbm>>
        %dma_wait3A_435 = arith.constant 0 : i32
        %dma_wait3A_436 = tpu.memref_slice %arg7[%add3A, %run_scoped3A_426, %dma_wait3A_435] : memref<8x1x128xf32, #tpu.memory_space<hbm>> -> memref<1x1x128xf32, #tpu.memory_space<hbm>>
        %dma_wait3A_437 = tpu.memref_squeeze %dma_wait3A_436 : memref<1x1x128xf32, #tpu.memory_space<hbm>> -> memref<128xf32, #tpu.memory_space<hbm>>
        tpu.wait_dma2 semaphore(%run_scoped3A_427 : memref<!tpu.dma_semaphore, #tpu.memory_space<semaphore_mem>>) src(%arg13 : memref<128xf32, #tpu.memory_space<vmem>>) dst(%dma_wait3A_437 : memref<128xf32, #tpu.memory_space<hbm>>)
        tpu.yield
      }) : () -> ()
    } else {
    }
    return
  }
}

module attributes {stable_mosaic.version = 14 : i64} {
  func.func @body(%arg0: i32, %arg1: memref<1x21x20000xf32, #tpu.memory_space<vmem>>, %arg2: memref<1x1x128xf32, #tpu.memory_space<vmem>>, %arg3: memref<1x1x128xf32, #tpu.memory_space<vmem>>, %arg4: memref<1x1x128xi32, #tpu.memory_space<vmem>>, %arg5: memref<1x1x128xf32, #tpu.memory_space<vmem>>, %arg6: memref<1x1x128xf32, #tpu.memory_space<vmem>>, %arg7: memref<1x1xf32, #tpu.memory_space<smem>>, %arg8: memref<1x1xf32, #tpu.memory_space<smem>>, %arg9: memref<4xf32, #tpu.memory_space<smem>>) attributes {dimension_semantics = [#tpu.dimension_semantics<arbitrary>], iteration_bounds = array<i64: 8>, scalar_prefetch = 0 : i64, scratch_operands = 1 : i64, tpu.core_type = #tpu.core_type<tc>, window_params = [{transform_indices = @transform_0, window_bounds = array<i64: 1, 21, 20000>}, {transform_indices = @transform_1, window_bounds = array<i64: 1, 1, 128>}, {transform_indices = @transform_2, window_bounds = array<i64: 1, 1, 128>}, {transform_indices = @transform_3, window_bounds = array<i64: 1, 1, 128>}, {transform_indices = @transform_4, window_bounds = array<i64: 1, 1, 128>}, {transform_indices = @transform_5, window_bounds = array<i64: 1, 1, 128>}, {transform_indices = @transform_6, window_bounds = array<i64: 1, 1>}, {transform_indices = @transform_7, window_bounds = array<i64: 1, 1>}]} {
    %get3A = arith.constant 0 : index
    %get3A_0 = arith.constant 0 : index
    %get3A_1 = arith.constant 0 : index
    %get3A_2 = vector.load %arg1[%get3A, %get3A_0, %get3A_1] : memref<1x21x20000xf32, #tpu.memory_space<vmem>>, vector<1x21x20000xf32>
    %get3A_3 = vector.shape_cast %get3A_2 : vector<1x21x20000xf32> to vector<21x20000xf32>
    %exp3A = math.exp %get3A_3 : vector<21x20000xf32>
    %broadcast_in_dim3A = arith.constant 1.000000e+00 : f32
    %broadcast_in_dim3A_4 = vector.broadcast %broadcast_in_dim3A : f32 to vector<1x21xf32>
    %dot_general3A = arith.constant dense<0.000000e+00> : vector<1x20000xf32>
    %dot_general3A_5 = tpu.matmul %broadcast_in_dim3A_4, %exp3A, %dot_general3A {dimension_numbers = #tpu.dot_dimension_numbers<[1], [0], [0], [1], [0, 0, 1, 1], [], []>, transpose_lhs_hint = false} : vector<1x21xf32>, vector<21x20000xf32>, vector<1x20000xf32> -> vector<1x20000xf32>
    %slice3A = vector.extract_strided_slice %exp3A {offsets = [0, 0], sizes = [1, 20000], strides = [1, 1]} : vector<21x20000xf32> to vector<1x20000xf32>
    %div3A = arith.divf %slice3A, %dot_general3A_5 : vector<1x20000xf32>
    %iota3A = tpu.iota {dimensions = array<i32: 1>} : vector<1x20000xi32>
    %reduce_min3A = vector.shape_cast %div3A : vector<1x20000xf32> to vector<1x1x20000xf32>
    %reduce_min3A_6 = arith.constant dense<0x7F800000> : vector<1xf32>
    %reduce_min3A_7 = vector.multi_reduction <minimumf>, %reduce_min3A, %reduce_min3A_6 [1, 2] : vector<1x1x20000xf32> to vector<1xf32>
    %reduce_min3A_8 = vector.shape_cast %reduce_min3A_7 : vector<1xf32> to vector<1x1x1xf32>
    %reduce_min3A_9 = vector.extract %reduce_min3A_8[0, 0, 0] : f32 from vector<1x1x1xf32>
    %eq3A = vector.broadcast %reduce_min3A_9 : f32 to vector<1x20000xf32>
    %eq3A_10 = arith.cmpf oeq, %div3A, %eq3A : vector<1x20000xf32>
    %jit3A = arith.constant 20000 : i32
    %broadcast_in_dim3A_11 = vector.broadcast %jit3A : i32 to vector<1x20000xi32>
    %select_n3A = arith.select %eq3A_10, %iota3A, %broadcast_in_dim3A_11 : vector<1x20000xi1>, vector<1x20000xi32>
    %reduce_min3A_12 = vector.shape_cast %select_n3A : vector<1x20000xi32> to vector<1x1x20000xi32>
    %reduce_min3A_13 = arith.constant dense<2147483647> : vector<1xi32>
    %reduce_min3A_14 = vector.multi_reduction <minsi>, %reduce_min3A_12, %reduce_min3A_13 [1, 2] : vector<1x1x20000xi32> to vector<1xi32>
    %reduce_min3A_15 = vector.shape_cast %reduce_min3A_14 : vector<1xi32> to vector<1x1x1xi32>
    %reduce_min3A_16 = vector.extract %reduce_min3A_15[0, 0, 0] : i32 from vector<1x1x1xi32>
    %eq3A_17 = vector.broadcast %reduce_min3A_16 : i32 to vector<1x20000xi32>
    %eq3A_18 = arith.cmpi eq, %iota3A, %eq3A_17 : vector<1x20000xi32>
    %jit3A_19 = arith.constant 0x7F800000 : f32
    %broadcast_in_dim3A_20 = vector.broadcast %jit3A_19 : f32 to vector<1x20000xf32>
    %select_n3A_21 = arith.select %eq3A_18, %broadcast_in_dim3A_20, %div3A : vector<1x20000xi1>, vector<1x20000xf32>
    %reduce_min3A_22 = vector.shape_cast %select_n3A_21 : vector<1x20000xf32> to vector<1x1x20000xf32>
    %reduce_min3A_23 = arith.constant dense<0x7F800000> : vector<1xf32>
    %reduce_min3A_24 = vector.multi_reduction <minimumf>, %reduce_min3A_22, %reduce_min3A_23 [1, 2] : vector<1x1x20000xf32> to vector<1xf32>
    %reduce_min3A_25 = vector.shape_cast %reduce_min3A_24 : vector<1xf32> to vector<1x1x1xf32>
    %reduce_min3A_26 = vector.extract %reduce_min3A_25[0, 0, 0] : f32 from vector<1x1x1xf32>
    %eq3A_27 = vector.broadcast %reduce_min3A_26 : f32 to vector<1x20000xf32>
    %eq3A_28 = arith.cmpf oeq, %select_n3A_21, %eq3A_27 : vector<1x20000xf32>
    %jit3A_29 = arith.constant 20000 : i32
    %broadcast_in_dim3A_30 = vector.broadcast %jit3A_29 : i32 to vector<1x20000xi32>
    %select_n3A_31 = arith.select %eq3A_28, %iota3A, %broadcast_in_dim3A_30 : vector<1x20000xi1>, vector<1x20000xi32>
    %reduce_min3A_32 = vector.shape_cast %select_n3A_31 : vector<1x20000xi32> to vector<1x1x20000xi32>
    %reduce_min3A_33 = arith.constant dense<2147483647> : vector<1xi32>
    %reduce_min3A_34 = vector.multi_reduction <minsi>, %reduce_min3A_32, %reduce_min3A_33 [1, 2] : vector<1x1x20000xi32> to vector<1xi32>
    %reduce_min3A_35 = vector.shape_cast %reduce_min3A_34 : vector<1xi32> to vector<1x1x1xi32>
    %reduce_min3A_36 = vector.extract %reduce_min3A_35[0, 0, 0] : i32 from vector<1x1x1xi32>
    %get3A_37 = arith.constant 0 : index
    %get3A_38 = arith.constant 0 : index
    %get3A_39 = arith.constant 0 : index
    %get3A_40 = vector.load %arg4[%get3A_37, %get3A_38, %get3A_39] : memref<1x1x128xi32, #tpu.memory_space<vmem>>, vector<1x1x128xi32>
    %get3A_41 = vector.shape_cast %get3A_40 : vector<1x1x128xi32> to vector<1x128xi32>
    %gt3A = arith.constant 0 : i32
    %gt3A_42 = vector.broadcast %gt3A : i32 to vector<1x128xi32>
    %gt3A_43 = arith.cmpi sgt, %get3A_41, %gt3A_42 : vector<1x128xi32>
    %jit3A_44 = arith.constant 1.000000e+00 : f32
    %jit3A_45 = arith.constant 0.000000e+00 : f32
    %broadcast_in_dim3A_46 = vector.broadcast %jit3A_44 : f32 to vector<1x128xf32>
    %broadcast_in_dim3A_47 = vector.broadcast %jit3A_45 : f32 to vector<1x128xf32>
    %select_n3A_48 = arith.select %gt3A_43, %broadcast_in_dim3A_46, %broadcast_in_dim3A_47 : vector<1x128xi1>, vector<1x128xf32>
    %reduce_sum3A = vector.shape_cast %select_n3A_48 : vector<1x128xf32> to vector<1x1x128xf32>
    %reduce_sum3A_49 = arith.constant dense<0.000000e+00> : vector<1xf32>
    %reduce_sum3A_50 = vector.multi_reduction <add>, %reduce_sum3A, %reduce_sum3A_49 [1, 2] : vector<1x1x128xf32> to vector<1xf32>
    %reduce_sum3A_51 = vector.shape_cast %reduce_sum3A_50 : vector<1xf32> to vector<1x1x1xf32>
    %reduce_sum3A_52 = vector.extract %reduce_sum3A_51[0, 0, 0] : f32 from vector<1x1x1xf32>
    %get3A_53 = arith.constant 0 : index
    %get3A_54 = arith.constant 0 : index
    %get3A_55 = arith.constant 0 : index
    %get3A_56 = vector.load %arg5[%get3A_53, %get3A_54, %get3A_55] : memref<1x1x128xf32, #tpu.memory_space<vmem>>, vector<1x1x128xf32>
    %get3A_57 = vector.shape_cast %get3A_56 : vector<1x1x128xf32> to vector<1x128xf32>
    %get3A_58 = arith.constant 0 : index
    %get3A_59 = arith.constant 0 : index
    %get3A_60 = arith.constant 0 : index
    %get3A_61 = vector.load %arg2[%get3A_58, %get3A_59, %get3A_60] : memref<1x1x128xf32, #tpu.memory_space<vmem>>, vector<1x1x128xf32>
    %get3A_62 = vector.shape_cast %get3A_61 : vector<1x1x128xf32> to vector<1x128xf32>
    %sub3A = arith.subf %get3A_57, %get3A_62 : vector<1x128xf32>
    %integer_pow3A = arith.mulf %sub3A, %sub3A : vector<1x128xf32>
    %get3A_63 = arith.constant 0 : index
    %get3A_64 = arith.constant 0 : index
    %get3A_65 = arith.constant 0 : index
    %get3A_66 = vector.load %arg6[%get3A_63, %get3A_64, %get3A_65] : memref<1x1x128xf32, #tpu.memory_space<vmem>>, vector<1x1x128xf32>
    %get3A_67 = vector.shape_cast %get3A_66 : vector<1x1x128xf32> to vector<1x128xf32>
    %get3A_68 = arith.constant 0 : index
    %get3A_69 = arith.constant 0 : index
    %get3A_70 = arith.constant 0 : index
    %get3A_71 = vector.load %arg3[%get3A_68, %get3A_69, %get3A_70] : memref<1x1x128xf32, #tpu.memory_space<vmem>>, vector<1x1x128xf32>
    %get3A_72 = vector.shape_cast %get3A_71 : vector<1x1x128xf32> to vector<1x128xf32>
    %sub3A_73 = arith.subf %get3A_67, %get3A_72 : vector<1x128xf32>
    %integer_pow3A_74 = arith.mulf %sub3A_73, %sub3A_73 : vector<1x128xf32>
    %add3A = arith.addf %integer_pow3A, %integer_pow3A_74 : vector<1x128xf32>
    %mul3A = arith.mulf %add3A, %select_n3A_48 : vector<1x128xf32>
    %reduce_sum3A_75 = vector.shape_cast %mul3A : vector<1x128xf32> to vector<1x1x128xf32>
    %reduce_sum3A_76 = arith.constant dense<0.000000e+00> : vector<1xf32>
    %reduce_sum3A_77 = vector.multi_reduction <add>, %reduce_sum3A_75, %reduce_sum3A_76 [1, 2] : vector<1x1x128xf32> to vector<1xf32>
    %reduce_sum3A_78 = vector.shape_cast %reduce_sum3A_77 : vector<1xf32> to vector<1x1x1xf32>
    %reduce_sum3A_79 = vector.extract %reduce_sum3A_78[0, 0, 0] : f32 from vector<1x1x1xf32>
    %slice3A_80 = vector.extract_strided_slice %get3A_3 {offsets = [0, 0], sizes = [21, 128], strides = [1, 1]} : vector<21x20000xf32> to vector<21x128xf32>
    %iota3A_81 = tpu.iota {dimensions = array<i32: 0>} : vector<21x1xi32>
    %eq3A_82 = vector.broadcast %iota3A_81 : vector<21x1xi32> to vector<21x128xi32>
    %eq3A_83 = vector.broadcast %get3A_41 : vector<1x128xi32> to vector<21x128xi32>
    %eq3A_84 = arith.cmpi eq, %eq3A_82, %eq3A_83 : vector<21x128xi32>
    %jit3A_85 = arith.constant 1.000000e+00 : f32
    %jit3A_86 = arith.constant 0.000000e+00 : f32
    %broadcast_in_dim3A_87 = vector.broadcast %jit3A_85 : f32 to vector<21x128xf32>
    %broadcast_in_dim3A_88 = vector.broadcast %jit3A_86 : f32 to vector<21x128xf32>
    %select_n3A_89 = arith.select %eq3A_84, %broadcast_in_dim3A_87, %broadcast_in_dim3A_88 : vector<21x128xi1>, vector<21x128xf32>
    %mul3A_90 = arith.mulf %slice3A_80, %select_n3A_89 : vector<21x128xf32>
    %reduce_sum3A_91 = arith.constant dense<0.000000e+00> : vector<128xf32>
    %reduce_sum3A_92 = vector.multi_reduction <add>, %mul3A_90, %reduce_sum3A_91 [0] : vector<21x128xf32> to vector<128xf32>
    %broadcast_in_dim3A_93 = vector.shape_cast %reduce_sum3A_92 : vector<128xf32> to vector<1x128xf32>
    %slice3A_94 = vector.extract_strided_slice %dot_general3A_5 {offsets = [0, 0], sizes = [1, 128], strides = [1, 1]} : vector<1x20000xf32> to vector<1x128xf32>
    %log3A = math.log %slice3A_94 : vector<1x128xf32>
    %sub3A_95 = arith.subf %log3A, %broadcast_in_dim3A_93 : vector<1x128xf32>
    %mul3A_96 = arith.mulf %sub3A_95, %select_n3A_48 : vector<1x128xf32>
    %reduce_sum3A_97 = vector.shape_cast %mul3A_96 : vector<1x128xf32> to vector<1x1x128xf32>
    %reduce_sum3A_98 = arith.constant dense<0.000000e+00> : vector<1xf32>
    %reduce_sum3A_99 = vector.multi_reduction <add>, %reduce_sum3A_97, %reduce_sum3A_98 [1, 2] : vector<1x1x128xf32> to vector<1xf32>
    %reduce_sum3A_100 = vector.shape_cast %reduce_sum3A_99 : vector<1xf32> to vector<1x1x1xf32>
    %reduce_sum3A_101 = vector.extract %reduce_sum3A_100[0, 0, 0] : f32 from vector<1x1x1xf32>
    %iota3A_102 = tpu.iota {dimensions = array<i32: 1>} : vector<1x128xi32>
    %eq3A_103 = vector.broadcast %reduce_min3A_16 : i32 to vector<1x128xi32>
    %eq3A_104 = arith.cmpi eq, %iota3A_102, %eq3A_103 : vector<1x128xi32>
    %and3A = arith.andi %eq3A_104, %gt3A_43 : vector<1x128xi1>
    %jit3A_105 = arith.constant 1.000000e+00 : f32
    %jit3A_106 = arith.constant 0.000000e+00 : f32
    %broadcast_in_dim3A_107 = vector.broadcast %jit3A_105 : f32 to vector<1x128xf32>
    %broadcast_in_dim3A_108 = vector.broadcast %jit3A_106 : f32 to vector<1x128xf32>
    %select_n3A_109 = arith.select %and3A, %broadcast_in_dim3A_107, %broadcast_in_dim3A_108 : vector<1x128xi1>, vector<1x128xf32>
    %reduce_sum3A_110 = vector.shape_cast %select_n3A_109 : vector<1x128xf32> to vector<1x1x128xf32>
    %reduce_sum3A_111 = arith.constant dense<0.000000e+00> : vector<1xf32>
    %reduce_sum3A_112 = vector.multi_reduction <add>, %reduce_sum3A_110, %reduce_sum3A_111 [1, 2] : vector<1x1x128xf32> to vector<1xf32>
    %reduce_sum3A_113 = vector.shape_cast %reduce_sum3A_112 : vector<1xf32> to vector<1x1x1xf32>
    %reduce_sum3A_114 = vector.extract %reduce_sum3A_113[0, 0, 0] : f32 from vector<1x1x1xf32>
    %gt3A_115 = arith.constant 0.000000e+00 : f32
    %gt3A_116 = arith.cmpf ogt, %reduce_sum3A_114, %gt3A_115 : f32
    %eq3A_117 = vector.broadcast %reduce_min3A_36 : i32 to vector<1x128xi32>
    %eq3A_118 = arith.cmpi eq, %iota3A_102, %eq3A_117 : vector<1x128xi32>
    %and3A_119 = arith.andi %eq3A_118, %gt3A_43 : vector<1x128xi1>
    %jit3A_120 = arith.constant 1.000000e+00 : f32
    %jit3A_121 = arith.constant 0.000000e+00 : f32
    %broadcast_in_dim3A_122 = vector.broadcast %jit3A_120 : f32 to vector<1x128xf32>
    %broadcast_in_dim3A_123 = vector.broadcast %jit3A_121 : f32 to vector<1x128xf32>
    %select_n3A_124 = arith.select %and3A_119, %broadcast_in_dim3A_122, %broadcast_in_dim3A_123 : vector<1x128xi1>, vector<1x128xf32>
    %reduce_sum3A_125 = vector.shape_cast %select_n3A_124 : vector<1x128xf32> to vector<1x1x128xf32>
    %reduce_sum3A_126 = arith.constant dense<0.000000e+00> : vector<1xf32>
    %reduce_sum3A_127 = vector.multi_reduction <add>, %reduce_sum3A_125, %reduce_sum3A_126 [1, 2] : vector<1x1x128xf32> to vector<1xf32>
    %reduce_sum3A_128 = vector.shape_cast %reduce_sum3A_127 : vector<1xf32> to vector<1x1x1xf32>
    %reduce_sum3A_129 = vector.extract %reduce_sum3A_128[0, 0, 0] : f32 from vector<1x1x1xf32>
    %gt3A_130 = arith.constant 0.000000e+00 : f32
    %gt3A_131 = arith.cmpf ogt, %reduce_sum3A_129, %gt3A_130 : f32
    %log3A_132 = math.log %reduce_min3A_9 : f32
    %neg3A = arith.constant 0.000000e+00 : f32
    %neg3A_133 = arith.subf %neg3A, %log3A_132 : f32
    %jit3A_134 = arith.constant 0.000000e+00 : f32
    %select_n3A_135 = arith.select %gt3A_116, %jit3A_134, %neg3A_133 : f32
    %add3A_136 = arith.addf %reduce_sum3A_101, %select_n3A_135 : f32
    %log3A_137 = math.log %reduce_min3A_26 : f32
    %neg3A_138 = arith.constant 0.000000e+00 : f32
    %neg3A_139 = arith.subf %neg3A_138, %log3A_137 : f32
    %jit3A_140 = arith.constant 0.000000e+00 : f32
    %select_n3A_141 = arith.select %gt3A_131, %jit3A_140, %neg3A_139 : f32
    %add3A_142 = arith.addf %add3A_136, %select_n3A_141 : f32
    %jit3A_143 = arith.constant 0.000000e+00 : f32
    %jit3A_144 = arith.constant 1.000000e+00 : f32
    %select_n3A_145 = arith.select %gt3A_116, %jit3A_143, %jit3A_144 : f32
    %add3A_146 = arith.addf %reduce_sum3A_52, %select_n3A_145 : f32
    %jit3A_147 = arith.constant 0.000000e+00 : f32
    %jit3A_148 = arith.constant 1.000000e+00 : f32
    %select_n3A_149 = arith.select %gt3A_131, %jit3A_147, %jit3A_148 : f32
    %add3A_150 = arith.addf %add3A_146, %select_n3A_149 : f32
    %eq3A_151 = arith.constant 0 : i32
    %eq3A_152 = arith.cmpi eq, %arg0, %eq3A_151 : i32
    %convert_element_type3A = arith.extui %eq3A_152 : i1 to i32
    %cond3A = arith.constant 0 : i32
    %cond3A_153 = arith.cmpi ne, %convert_element_type3A, %cond3A : i32
    scf.if %cond3A_153 {
      %swap3A_179 = arith.constant 0 : index
      %swap3A_180 = memref.load %arg9[%swap3A_179] : memref<4xf32, #tpu.memory_space<smem>>
      memref.store %reduce_sum3A_79, %arg9[%swap3A_179] : memref<4xf32, #tpu.memory_space<smem>>
      %swap3A_181 = arith.constant 1 : index
      %swap3A_182 = memref.load %arg9[%swap3A_181] : memref<4xf32, #tpu.memory_space<smem>>
      memref.store %reduce_sum3A_52, %arg9[%swap3A_181] : memref<4xf32, #tpu.memory_space<smem>>
      %swap3A_183 = arith.constant 2 : index
      %swap3A_184 = memref.load %arg9[%swap3A_183] : memref<4xf32, #tpu.memory_space<smem>>
      memref.store %add3A_142, %arg9[%swap3A_183] : memref<4xf32, #tpu.memory_space<smem>>
      %swap3A_185 = arith.constant 3 : index
      %swap3A_186 = memref.load %arg9[%swap3A_185] : memref<4xf32, #tpu.memory_space<smem>>
      memref.store %add3A_150, %arg9[%swap3A_185] : memref<4xf32, #tpu.memory_space<smem>>
    } else {
    }
    %gt3A_154 = arith.constant 0 : i32
    %gt3A_155 = arith.cmpi sgt, %arg0, %gt3A_154 : i32
    %convert_element_type3A_156 = arith.extui %gt3A_155 : i1 to i32
    %cond3A_157 = arith.constant 0 : i32
    %cond3A_158 = arith.cmpi ne, %convert_element_type3A_156, %cond3A_157 : i32
    scf.if %cond3A_158 {
      %get3A_179 = arith.constant 0 : index
      %get3A_180 = memref.load %arg9[%get3A_179] : memref<4xf32, #tpu.memory_space<smem>>
      %add3A_181 = arith.addf %get3A_180, %reduce_sum3A_79 : f32
      %swap3A_182 = arith.constant 0 : index
      %swap3A_183 = memref.load %arg9[%swap3A_182] : memref<4xf32, #tpu.memory_space<smem>>
      memref.store %add3A_181, %arg9[%swap3A_182] : memref<4xf32, #tpu.memory_space<smem>>
      %get3A_184 = arith.constant 1 : index
      %get3A_185 = memref.load %arg9[%get3A_184] : memref<4xf32, #tpu.memory_space<smem>>
      %add3A_186 = arith.addf %get3A_185, %reduce_sum3A_52 : f32
      %swap3A_187 = arith.constant 1 : index
      %swap3A_188 = memref.load %arg9[%swap3A_187] : memref<4xf32, #tpu.memory_space<smem>>
      memref.store %add3A_186, %arg9[%swap3A_187] : memref<4xf32, #tpu.memory_space<smem>>
      %get3A_189 = arith.constant 2 : index
      %get3A_190 = memref.load %arg9[%get3A_189] : memref<4xf32, #tpu.memory_space<smem>>
      %add3A_191 = arith.addf %get3A_190, %add3A_142 : f32
      %swap3A_192 = arith.constant 2 : index
      %swap3A_193 = memref.load %arg9[%swap3A_192] : memref<4xf32, #tpu.memory_space<smem>>
      memref.store %add3A_191, %arg9[%swap3A_192] : memref<4xf32, #tpu.memory_space<smem>>
      %get3A_194 = arith.constant 3 : index
      %get3A_195 = memref.load %arg9[%get3A_194] : memref<4xf32, #tpu.memory_space<smem>>
      %add3A_196 = arith.addf %get3A_195, %add3A_150 : f32
      %swap3A_197 = arith.constant 3 : index
      %swap3A_198 = memref.load %arg9[%swap3A_197] : memref<4xf32, #tpu.memory_space<smem>>
      memref.store %add3A_196, %arg9[%swap3A_197] : memref<4xf32, #tpu.memory_space<smem>>
    } else {
    }
    %get3A_159 = arith.constant 0 : index
    %get3A_160 = memref.load %arg9[%get3A_159] : memref<4xf32, #tpu.memory_space<smem>>
    %get3A_161 = arith.constant 1 : index
    %get3A_162 = memref.load %arg9[%get3A_161] : memref<4xf32, #tpu.memory_space<smem>>
    %max3A = arith.constant 1.000000e+00 : f32
    %max3A_163 = arith.maximumf %get3A_162, %max3A : f32
    %mul3A_164 = arith.constant 2.000000e+00 : f32
    %mul3A_165 = arith.mulf %max3A_163, %mul3A_164 : f32
    %div3A_166 = arith.divf %get3A_160, %mul3A_165 : f32
    %swap3A = arith.constant 0 : index
    %swap3A_167 = arith.constant 0 : index
    %swap3A_168 = memref.load %arg7[%swap3A, %swap3A_167] : memref<1x1xf32, #tpu.memory_space<smem>>
    memref.store %div3A_166, %arg7[%swap3A, %swap3A_167] : memref<1x1xf32, #tpu.memory_space<smem>>
    %get3A_169 = arith.constant 2 : index
    %get3A_170 = memref.load %arg9[%get3A_169] : memref<4xf32, #tpu.memory_space<smem>>
    %get3A_171 = arith.constant 3 : index
    %get3A_172 = memref.load %arg9[%get3A_171] : memref<4xf32, #tpu.memory_space<smem>>
    %max3A_173 = arith.constant 1.000000e+00 : f32
    %max3A_174 = arith.maximumf %get3A_172, %max3A_173 : f32
    %div3A_175 = arith.divf %get3A_170, %max3A_174 : f32
    %swap3A_176 = arith.constant 0 : index
    %swap3A_177 = arith.constant 0 : index
    %swap3A_178 = memref.load %arg8[%swap3A_176, %swap3A_177] : memref<1x1xf32, #tpu.memory_space<smem>>
    memref.store %div3A_175, %arg8[%swap3A_176, %swap3A_177] : memref<1x1xf32, #tpu.memory_space<smem>>
    return
  }
  func.func @transform_0(%arg0: i32) -> (i32, i32, i32) {
    %c0_i32 = arith.constant 0 : i32
    %c0_i32_0 = arith.constant 0 : i32
    %c0_i32_1 = arith.constant 0 : i32
    return %arg0, %c0_i32, %c0_i32_0 : i32, i32, i32
  }
  func.func @transform_1(%arg0: i32) -> (i32, i32, i32) {
    %c0_i32 = arith.constant 0 : i32
    %c0_i32_0 = arith.constant 0 : i32
    %c0_i32_1 = arith.constant 0 : i32
    return %arg0, %c0_i32, %c0_i32_0 : i32, i32, i32
  }
  func.func @transform_2(%arg0: i32) -> (i32, i32, i32) {
    %c0_i32 = arith.constant 0 : i32
    %c0_i32_0 = arith.constant 0 : i32
    %c0_i32_1 = arith.constant 0 : i32
    return %arg0, %c0_i32, %c0_i32_0 : i32, i32, i32
  }
  func.func @transform_3(%arg0: i32) -> (i32, i32, i32) {
    %c0_i32 = arith.constant 0 : i32
    %c0_i32_0 = arith.constant 0 : i32
    %c0_i32_1 = arith.constant 0 : i32
    return %arg0, %c0_i32, %c0_i32_0 : i32, i32, i32
  }
  func.func @transform_4(%arg0: i32) -> (i32, i32, i32) {
    %c0_i32 = arith.constant 0 : i32
    %c0_i32_0 = arith.constant 0 : i32
    %c0_i32_1 = arith.constant 0 : i32
    return %arg0, %c0_i32, %c0_i32_0 : i32, i32, i32
  }
  func.func @transform_5(%arg0: i32) -> (i32, i32, i32) {
    %c0_i32 = arith.constant 0 : i32
    %c0_i32_0 = arith.constant 0 : i32
    %c0_i32_1 = arith.constant 0 : i32
    return %arg0, %c0_i32, %c0_i32_0 : i32, i32, i32
  }
  func.func @transform_6(%arg0: i32) -> (i32, i32) {
    %c0_i32 = arith.constant 0 : i32
    %c0_i32_0 = arith.constant 0 : i32
    %c0_i32_1 = arith.constant 0 : i32
    return %c0_i32, %c0_i32_0 : i32, i32
  }
  func.func @transform_7(%arg0: i32) -> (i32, i32) {
    %c0_i32 = arith.constant 0 : i32
    %c0_i32_0 = arith.constant 0 : i32
    %c0_i32_1 = arith.constant 0 : i32
    return %c0_i32, %c0_i32_0 : i32, i32
  }
}

</mosaic_0001>

<sc_bundles>
// kernel: kernel.4.cloned.1.call-start
scs
__scs_entry_jumppad:
0x0: {  	(pc) =	sbr.rel $0x88, $3  }
0x1: {  	(tag) =	ssettag $0x0;
	lr =	simm.s32 $0x1  }
0x2: {  	[smem:$0x3F9D] =	sst lr;
	_ =	strace $0xD0000000  }
0x3: {  	_ = 	snop  }
0x4: {  	_ = 	snop  }
0x5: {  	_ = 	snop  }
0x6: {  	_ = 	snop  }
0x7: {  	_ = 	snop  }
__scs_overlays_trampoline_lowered:
0x8: {  	[smem:$0x3FAC] =	sst s0  }
0x9: {  	[smem:$0x3FAD] =	sst s1  }
0xa: {  	[smem:$0x3FAE] =	sst s2  }
0xb: {  	[smem:$0x3FAF] =	sst s3  }
0xc: {  	[smem:$0x3FB0] =	sst s4  }
0xd: {  	[smem:$0x3FB1] =	sst s5  }
0xe: {  	[smem:$0x3FB2] =	sst s6  }
0xf: {  	[smem:$0x3FB3] =	sst s7  }
0x10: {  	[smem:$0x3FB4] =	sst s8  }
0x11: {  	[smem:$0x3FB5] =	sst s9;
	s0 =	simm.s32 @!p0 $0x0  }
0x12: {  	s1 =	sld [smem:$0x3F9B];
	s0 =	simm.s32 @p0 $0x1  }
0x13: {  	[smem:$0x3FB6] =	sst s0;
	s0 =	simm.s32 @!p1 $0x0  }
0x14: {  	s2 =	sld [smem:$0x3F9A];
	s0 =	simm.s32 @p1 $0x1  }
0x15: {  	[smem:$0x3FB7] =	sst s0;
	s0 =	simm.s32 @!p2 $0x0  }
0x16: {  	s3 =	sld [smem:$0x3FDB];
	s0 =	simm.s32 @p2 $0x1  }
0x17: {  	s4 =	simm.s32 $0x1BF5;
	[smem:$0x3FB9] =	sst s0  }
0x18: {  	s0 =	sld [smem:$0x3F9C];
	_ =	swait.ge [sflag:s4], $0x0  }
0x19: {  	s7 =	sld [smem:$0x3F9D]  }
0x1a: {  	s8 =	sadd.s32 $0xFFFFE003, lr  }
0x1b: {  	s9 =	sadd.s32 $0xFFFFFEF7, lr;
	s5 =	simm.s32 $0xFFFFFFFF;
	p2 =	slt.u32 s8, $0xFFFFF086  }
0x1c: {  	p1 =	slt.u32 s9, $0xF7A;
	s5 =	simm.s32 @!p2 $0x0  }
0x1d: {  	s5 =	simm.s32 @p1 $0x1;
	p0 =	seq.s32 s7, s2  }
0x1e: {  	s7 =	smul.u32 @!p0 $0xF7A, s2;
	p2 =	seq.s32 @!p0 s5, $0x0  }
0x1f: {  	s9 =	smul.u32 $0xF7A, s1;
	s8 =	simm.s32 @!p0 $0x1BF5;
	p2 =	por !p2, p0  }
0x20: {  	[sflag:s8] =	ssyncset.s32 @!p0 $0xFFFFF086;
	s6 =	sadd.s32 @!p0 s3, s7;
	s7 =	simm.s32 @!p0 $0x108  }
0x21: {  	s3 =	sadd.s32 s3, s9;
	s6 =	sadd.s32 @!p0 $0x88, s6;
	s7 =	simm.s32 @p2 $0x1082  }
0x22: {  	[simem:s7], [sflag:s8] =	dma.local @!p0 [hbm:s6], $0xF7A  }
0x23: {  	s9 =	sor.u32 $0xD0000000, s2;
	s6 =	simm.s32 $0x108;
	_ =	swait.ge @!p0 [sflag:s8], $0x0  }
0x24: {  	s3 =	sadd.s32 $0x88, s3;
	s6 =	simm.s32 @!p1 $0x1082;
	[sflag:s4] =	ssyncset.s32 $0xFFFFF086  }
0x25: {  	[simem:s6], [sflag:s4] =	dma.local [hbm:s3], $0xF7A  }
0x26: {  	[smem:$0x3F9D] =	sst s1;
	(tag) =	ssettag s2;
	_ =	strace s9  }
0x27: {  	s1 =	sld [smem:$0x3FAD]  }
0x28: {  	s2 =	sld [smem:$0x3FAE]  }
0x29: {  	s4 =	sld [smem:$0x3FB0]  }
0x2a: {  	p0 =	seq.s32 s5, $0x0;
	s5 =	sld [smem:$0x3FB1]  }
0x2b: {  	s6 =	sld [smem:$0x3FB2]  }
0x2c: {  	s7 =	sld [smem:$0x3FB3]  }
0x2d: {  	s3 =	simm.s32 $0x108;
	s8 =	sld [smem:$0x3FB4]  }
0x2e: {  	s3 =	simm.s32 @!p0 $0x1082;
	s9 =	sld [smem:$0x3FB5]  }
0x2f: {  	lr =	sadd.s32 s0, s3;
	s0 =	sld [smem:$0x3FAC]  }
0x30: {  	s3 =	sld [smem:$0x3FAF]  }
0x31: {  	[smem:$0x3FB8] =	sst s10  }
0x32: {  	s10 =	sld [smem:$0x3FB6];
	_ =	sdelay $0x3  }
0x33: {  	p0 =	seq.s32 s10, $0x1;
	s10 =	sld [smem:$0x3FB8];
	_ =	sdelay $0x3  }
0x34: {  	[smem:$0x3FB8] =	sst s10  }
0x35: {  	s10 =	sld [smem:$0x3FB7];
	_ =	sdelay $0x3  }
0x36: {  	p1 =	seq.s32 s10, $0x1;
	s10 =	sld [smem:$0x3FB8];
	_ =	sdelay $0x3  }
0x37: {  	[smem:$0x3FB8] =	sst s10  }
0x38: {  	s10 =	sld [smem:$0x3FB9]  }
0x39: {  	_ = 	snop;
	(pc) =	sbr.ind lr, $3  }
0x3a: {  	_ = 	snop  }
0x3b: {  	_ = 	snop  }
0x3c: {  	p2 =	seq.s32 s10, $0x1;
	s10 =	sld [smem:$0x3FB8]  }
0x3d: {  	_ =	shalt  }
0x3e: {  	_ =	shalt  }
0x3f: {  	_ =	shalt  }
0x40: {  	_ =	shalt  }
0x41: {  	_ =	shalt  }
0x42: {  	_ =	shalt  }
0x43: {  	_ =	shalt  }
0x44: {  	_ =	shalt  }
0x45: {  	_ =	shalt  }
0x46: {  	_ =	shalt  }
0x47: {  	_ =	shalt  }
0x48: {  	_ =	shalt  }
0x49: {  	_ =	shalt  }
0x4a: {  	_ =	shalt  }
0x4b: {  	_ =	shalt  }
0x4c: {  	_ =	shalt  }
0x4d: {  	_ =	shalt  }
0x4e: {  	_ =	shalt  }
0x4f: {  	_ =	shalt  }
0x50: {  	_ =	shalt  }
0x51: {  	_ =	shalt  }
0x52: {  	_ =	shalt  }
0x53: {  	_ =	shalt  }
0x54: {  	_ =	shalt  }
0x55: {  	_ =	shalt  }
0x56: {  	_ =	shalt  }
0x57: {  	_ =	shalt  }
0x58: {  	_ =	shalt  }
0x59: {  	_ =	shalt  }
0x5a: {  	_ =	shalt  }
0x5b: {  	_ =	shalt  }
0x5c: {  	_ =	shalt  }
0x5d: {  	_ =	shalt  }
0x5e: {  	_ =	shalt  }
0x5f: {  	_ =	shalt  }
0x60: {  	_ =	shalt  }
0x61: {  	_ =	shalt  }
0x62: {  	_ =	shalt  }
0x63: {  	_ =	shalt  }
0x64: {  	_ =	shalt  }
0x65: {  	_ =	shalt  }
0x66: {  	_ =	shalt  }
0x67: {  	_ =	shalt  }
0x68: {  	_ =	shalt  }
0x69: {  	_ =	shalt  }
0x6a: {  	_ =	shalt  }
0x6b: {  	_ =	shalt  }
0x6c: {  	_ =	shalt  }
0x6d: {  	_ =	shalt  }
0x6e: {  	_ =	shalt  }
0x6f: {  	_ =	shalt  }
0x70: {  	_ =	shalt  }
0x71: {  	_ =	shalt  }
0x72: {  	_ =	shalt  }
0x73: {  	_ =	shalt  }
0x74: {  	_ =	shalt  }
0x75: {  	_ =	shalt  }
0x76: {  	_ =	shalt  }
0x77: {  	_ =	shalt  }
0x78: {  	_ =	shalt  }
0x79: {  	_ =	shalt  }
0x7a: {  	_ =	shalt  }
0x7b: {  	_ =	shalt  }
0x7c: {  	_ =	shalt  }
0x7d: {  	_ =	shalt  }
0x7e: {  	_ =	shalt  }
0x7f: {  	_ =	shalt  }
0x80: {  	_ =	shalt  }
0x81: {  	_ =	shalt  }
0x82: {  	_ =	shalt  }
0x83: {  	_ =	shalt  }
0x84: {  	_ =	shalt  }
0x85: {  	_ =	shalt  }
0x86: {  	_ =	shalt  }
0x87: {  	_ =	shalt  }
.Lfunc_end0:
.L_simem_size_0:
called_computation_lowered:
.L_overlay_start_0:
0x88: {  	s2 =	sld [smem:$0x3FD9]  }
0x89: {  	s3 =	sld [smem:$0x3FFE];
	_ =	sdelay $0x1  }
0x8a: {  	s1 =	srdreg.scid  }
0x8b: {  	s0 =	sand.u32 $0x1, s1  }
0x8c: {  	s16 =	sshll.u32 s0, $0xA;
	s2 =	sadd.s32 s3, s2  }
0x8d: {  	s2 =	sadd.s32 s2, s16  }
0x8e: {  	[smem:$0x3FC4] =	sst s2  }
0x8f: {  	_ = 	snop  }
0x90: {  	(tm) =	ssettm $0x1  }
0x91: {  	s17 =	sld [smem:$0x3FFB];
	_ =	sdelay $0x3  }
0x92: {  	_ =	strace s17  }
0x93: {  	s2 =	sld [smem:$0x3FFC];
	_ =	sdelay $0x3  }
0x94: {  	_ =	strace s2  }
0x95: {  	s2 =	sld [smem:$0x3FFD];
	_ =	sdelay $0x3  }
0x96: {  	_ =	strace s2  }
0x97: {  	_ =	strace $0x8FFFFFFF  }
0x98: {  	s18 =	sld [smem:$0x3FDB];
	_ =	sdelay $0x1  }
0x99: {  	s19 =	simm.s32 $_scs_section_size  }
0x9a: {  	s4 =	simm.s32 $_size__tile_overlayer_lowered;
	s5 =	simm.s32 $_tile_overlayer_lowered  }
0x9b: {  	s22 =	simm.s32 $0x1BFF;
	s21 =	sshll.u32 s5, $0x1;
	s2 =	sadd.s32 s19, s18  }
0x9c: {  	s6 =	simm.s32 $0x0;
	s20 =	sshll.u32 s4, $0x1;
	s4 =	sadd.s32 s21, s2  }
0x9d: {  	[timem:s6], [sflag:s22] =	dma.local [hbm:s4], s20  }
0x9e: {  	_ =	swait.ge [sflag:s22], s20  }
0x9f: {  	s3 =	ssub.s32 $0x0, s20;
	[sflag:s22] =	ssyncset.done $0x0  }
0xa0: {  	[sflag:s22] =	ssyncadd.s32 s3;
	_ =	sdelay $0x1  }
0xa1: {  	s23 =	simm.s32 $0x1B8B  }
0xa2: {  	_ =	swait.ge [sflag:s23], $0x1  }
0xa3: {  	[sflag:s23] =	ssyncset.done $0x0  }
0xa4: {  	s25 =	simm.s32 $0x1B8E;
	s24 =	sld [smem:$0x3FFE];
	[sflag:s23] =	ssyncadd.s32 $0xFFFFFFFF  }
0xa5: {  	s26 =	simm.s32 $execute0_lowered;
	[smem:$0x3FD2] =	sst s25  }
0xa6: {  	s4 =	sshll.u32 s26, $0x1;
	_ =	strace $0x80000046;
	[dreg:$0x1] =	wrdreg $0xFFFFFFFF  }
0xa7: {  	s28 =	simm.s32 $_size_execute0_lowered;
	s2 =	sadd.s32 s2, s4;
	[dreg:$0x0] =	wrdreg $0x0  }
0xa8: {  	s4 =	sshll.u32 s28, $0x1;
	[dreg:$0x2] =	wrdreg s2  }
0xa9: {  	[dreg:$0x3] =	wrdreg s4  }
0xaa: {  	[dreg:$0x4] =	wrdreg $0xC0  }
0xab: {  	_ =	task [dreg:s6], $0x5FFFF  }
0xac: {  	[dreg:$0x1] =	wrdreg $0xFFFFFFFF  }
0xad: {  	[dreg:$0x0] =	wrdreg $0x60  }
0xae: {  	[dreg:$0x2] =	wrdreg s24  }
0xaf: {  	[dreg:$0x3] =	wrdreg $0x9  }
0xb0: {  	_ =	task.clear_ibuf [dreg:s6], $0x4FFFF;
	_ =	strace $0x90000046  }
0xb1: {  	s29 =	simm.s32 $0x9;
	_ =	strace $0x80000048  }
0xb2: {  	_ =	swait.ge [sflag:s29], $0x1  }
0xb3: {  	[sflag:s29] =	ssyncadd.s32 $0xFFFFFFFF  }
0xb4: {  	_ =	strace $0x90000048  }
0xb5: {  	_ =	sfence  }
0xb6: {  	s30 =	sld [smem:$0x0];
	_ =	sdelay $0x2  }
0xb7: {  	s31 =	sshll.u32 s1, $0xD;
	s1 =	sshrl.u32 s1, $0x2  }
0xb8: {  	s3 =	sand.u32 $0x4000, s31;
	s1 =	sadd.s32 s1, s30  }
0xb9: {  	s0 =	sor.u32 s3, s0;
	s1 =	sshll.u32 s1, $0x11  }
0xba: {  	s0 =	sor.u32 s1, s0  }
0xbb: {  	s0 =	sadd.s32 $0x8F2B, s0  }
0xbc: {  	[sflag:s0] =	ssyncadd.remote.s32 $0x1  }
0xbd: {  	_ =	sfence.sel $0xFFFF  }
0xbe: {  	[dreg:$0x0] =	wrdreg $0xFFFFFFFF;
	(pc) =	sbr.abs _section_cstart, $3  }
0xbf: {  	[dreg:$0x1] =	wrdreg $0xFFFFFFFF  }
0xc0: {  	_ =	task.clear_ibuf [dreg:s6], $0x2FFFF;
	_ =	strace $0x9FFFFFFF  }
0xc1: {  	(tm) =	ssettm $0x7FFFFFFF  }
tec
execute0_lowered:
.L_overlay_start_1:
0x0: {  	(tag) =	ssettag $0x1  }
0x1: {  	s1 =	stileid.u32  }
0x2: {  	p0 =	sgt.u32 s1, $0x3  }
.Ltmp0:
0x3: {  	_ = 	snop;
	(pc) =	sbr.rel @p0 .LBB2_4-.Ltmp0, $4  }
0x4: {  	_ = 	snop  }
0x5: {  	s9 =	rddreg [dreg:$0x0];
	s2 =	simm.s32 $0x0  }
0x6: {  	[smem:$0x7FF] =	sst s2  }
0x7: {  	s0 =	rddreg [dreg:$0x1];
	_ =	strace $0x80000047  }
0x8: {  	s3 =	srdreg.scid  }
0x9: {  	s15 =	sand.u32 $0x1, s3  }
0xa: {  	s31 =	sshll.u32 s1, $0x5;
	s4 =	sshll.u32 s15, $0x4  }
0xb: {  	s5 =	sadd.s32 $0x1600, s9;
	s6 =	simm.s32 $0x400;
	s7 =	sor.u32 s4, s31  }
0xc: {  	s3 =	simm.s32 $0x1;
	s4 =	sadd.s32 s5, s7;
	s5 =	simm.s32 $0x80  }
0xd: {  	[tilespmem:s2], [sflag:$0x1] =	stream.strided.gather [hbm4b:s4+s5], $0x100, s6, s5, $0x38;
	[tilespmem:$0x400] =	vst v63  }
0xe: {  	_ =	swait.ge [sflag:s3], $0x100  }
0xf: {  	s14 =	sadd.s32 s7, s9;
	[sflag:s3] =	ssyncset.done $0x0  }
0x10: {  	s8 =	simm.s32 $0x100;
	s7 =	sadd.s32 $0x1800, s14;
	[sflag:s3] =	ssyncadd.s32 $0xFFFFFF00  }
0x11: {  	[tilespmem:s8], [sflag:$0x1] =	stream.linear.gather [hbm4b:s7+s2], $0x80, $0x38;
	[tilespmem:$0x400] =	vst v63  }
0x12: {  	_ =	swait.ge [sflag:s3], $0x80  }
0x13: {  	[sflag:s3] =	ssyncset.done $0x0  }
0x14: {  	s10 =	simm.s32 $0x180;
	s9 =	sadd.s32 $0x1A00, s9;
	[sflag:s3] =	ssyncadd.s32 $0xFFFFFF80  }
0x15: {  	[tilespmem:s10], [sflag:$0x1] =	stream.linear.gather [hbm4b:s9+s2], $0x100, $0x38;
	[tilespmem:$0x400] =	vst v63  }
0x16: {  	_ =	swait.ge [sflag:s3], $0x100  }
0x17: {  	[sflag:s3] =	ssyncset.done $0x0  }
0x18: {  	v0 =	vimm.f32 $0.0e+00;
	[sflag:s3] =	ssyncadd.s32 $0xFFFFFF00  }
0x19: {  	[tilespmem:$0x3F0] =	vst v0  }
0x1a: {  	v1 =	vimm.s32 $0x0;
	[tilespmem:$0x370] =	vst v0  }
0x1b: {  	[tilespmem:$0x2F0] =	vst v1  }
0x1c: {  	[tilespmem:$0x3E0] =	vst v0  }
0x1d: {  	[tilespmem:$0x360] =	vst v0  }
0x1e: {  	[tilespmem:$0x2E0] =	vst v1  }
0x1f: {  	[tilespmem:$0x3D0] =	vst v0  }
0x20: {  	[tilespmem:$0x350] =	vst v0  }
0x21: {  	[tilespmem:$0x2D0] =	vst v1  }
0x22: {  	[tilespmem:$0x3C0] =	vst v0  }
0x23: {  	[tilespmem:$0x340] =	vst v0  }
0x24: {  	[tilespmem:$0x2C0] =	vst v1  }
0x25: {  	[tilespmem:$0x3B0] =	vst v0  }
0x26: {  	[tilespmem:$0x330] =	vst v0  }
0x27: {  	[tilespmem:$0x2B0] =	vst v1  }
0x28: {  	[tilespmem:$0x3A0] =	vst v0  }
0x29: {  	v2 =	vlaneseq.u32;
	[tilespmem:$0x320] =	vst v0  }
0x2a: {  	v2 =	vmul.u32 $0x4, v2;
	[tilespmem:$0x2A0] =	vst v1  }
0x2b: {  	[tilespmem:$0x390] =	vst v0  }
0x2c: {  	v3 =	vor.u32 $0x82, v2;
	[tilespmem:$0x310] =	vst v0  }
0x2d: {  	v4 =	vor.u32 $0x3, v2;
	[tilespmem:$0x290] =	vst v1  }
0x2e: {  	v5 =	vor.u32 $0x43, v2;
	[tilespmem:$0x380] =	vst v0  }
0x2f: {  	v6 =	vor.u32 $0x80, v2;
	[tilespmem:$0x280] =	vst v1  }
0x30: {  	v7 =	vor.u32 $0x41, v2;
	[tilespmem:$0x300] =	vst v0  }
0x31: {  	v8 =	vor.u32 $0x42, v2;
	v18 =	vld.idx.msk [tilespmem:v3+s2+$0x0], $0xffff  }
0x32: {  	v9 =	vor.u32 $0x81, v2;
	v19 =	vld.idx.msk [tilespmem:v4+s2+$0x0], $0xffff  }
0x33: {  	v10 =	vor.u32 $0x83, v2;
	v20 =	vld.idx.msk [tilespmem:v5+s2+$0x0], $0xffff  }
0x34: {  	v11 =	vor.u32 $0x1, v2;
	v21 =	vld.idx.msk [tilespmem:v6+s2+$0x0], $0xffff  }
0x35: {  	v22 =	vld.idx.msk [tilespmem:v7+s2+$0x0], $0xffff  }
0x36: {  	v12 =	vor.u32 $0x2, v2;
	v23 =	vld.idx.msk [tilespmem:v8+s2+$0x0], $0xffff  }
0x37: {  	vm0 =	vcmask $0x300;
	v14 =	vimm.s32 $0xC7;
	v13 =	vor.u32 $0x40, v2;
	v24 =	vld.idx.msk [tilespmem:v9+s2+$0x0], $0xffff  }
0x38: {  	v15 =	vimm.s32 $0xC5;
	v14 =	vsel vm0, $0xC3, v14;
	v25 =	vld.idx.msk [tilespmem:v10+s2+$0x0], $0xffff  }
0x39: {  	v16 =	vimm.s32 $0xC6;
	v15 =	vsel vm0, $0xC1, v15;
	v28 =	vld.idx.msk [tilespmem:v11+s2+$0x0], $0xffff  }
0x3a: {  	v17 =	vimm.s32 $0xC4;
	v16 =	vsel vm0, $0xC2, v16;
	v29 =	vld.idx.msk [tilespmem:v2+s2+$0x0], $0xffff  }
0x3b: {  	v17 =	vsel vm0, $0xC0, v17;
	v30 =	vld.idx.msk [tilespmem:v12+s2+$0x0], $0xffff  }
0x3c: {  	v31 =	vld.idx.msk [tilespmem:v13+s2+$0x0], $0xffff  }
0x3d: {  	v26 =	vadd.s32 v24, v25;
	v24 =	vld.idx.msk [tilespmem:v14+s2+$0x0], $0xffff  }
0x3e: {  	v32 =	vadd.s32 v28, v19;
	v19 =	vld.idx.msk [tilespmem:v15+s2+$0x0], $0xffff  }
0x3f: {  	v27 =	vadd.s32 v21, v18;
	v33 =	vadd.s32 v22, v20;
	v22 =	vld.idx.msk [tilespmem:v16+s2+$0x0], $0xffff;
	v18 =	vshra.s32 v26, $0x6  }
0x40: {  	v34 =	vadd.s32 v29, v30;
	v25 =	vld.idx.msk [tilespmem:v17+s2+$0x0], $0xffff;
	v20 =	vshra.s32 v32, $0x6;
	v18 =	vmul.u32 $0xA, v18  }
0x41: {  	v36 =	vadd.s32 v31, v23;
	v21 =	vshra.s32 v27, $0x6;
	v20 =	vmul.u32 $0xA, v20  }
0x42: {  	v28 =	vshra.s32 v33, $0x6;
	v29 =	vshra.s32 v34, $0x6;
	v18 =	vadd.s32 v21, v18  }
0x43: {  	v21 =	vmul.u32 $0xA, v28;
	v35 =	vadd.s32 v29, v20;
	v57 =	vshll.u32 v18, $0x1  }
0x44: {  	v42 =	vld [tilespmem:$0x100];
	v20 =	vshra.s32 v36, $0x6;
	v23 =	vshll.u32 v35, $0x1;
	v24 =	vadd.s32 v19, v24  }
0x45: {  	v19 =	vld [tilespmem:$0x130];
	v25 =	vadd.s32 v25, v22;
	v58 =	vor.u32 $0x1, v23;
	v29 =	vshra.s32 v24, $0x6  }
0x46: {  	v28 =	vadd.s32 v20, v21;
	v21 =	vld [tilespmem:$0x120];
	v22 =	vor.u32 $0x1, v57;
	v20 =	vmul.u32 $0xA, v29  }
0x47: {  	v38 =	vshra.s32 v25, $0x6;
	v37 =	vshll.u32 v28, $0x1;
	v29 =	vld [tilespmem:$0x110]  }
0x48: {  	v39 =	vor.u32 $0x1, v37;
	v20 =	vadd.s32 v38, v20;
	v30 =	vld.idx.msk [tilespmem:v57+s10+$0x0], $0xffff  }
0x49: {  	v23 =	vld.idx.msk [tilespmem:v23+s10+$0x0], $0xffff;
	v38 =	vshll.u32 v20, $0x1  }
0x4a: {  	v40 =	vld.idx.msk [tilespmem:v58+s10+$0x0], $0xffff;
	v41 =	vor.u32 $0x1, v38  }
0x4b: {  	v59 =	vld.idx.msk [tilespmem:v22+s10+$0x0], $0xffff;
	v22 =	vshra.s32 v34, $0x1  }
0x4c: {  	vm0 =	vcmask $0x704;
	v32 =	vshra.s32 v32, $0x1;
	v61 =	vcvt.s32.f32 v22;
	v37 =	vld.idx.msk [tilespmem:v37+s10+$0x0], $0xffff  }
0x4d: {  	v32 =	vcvt.s32.f32 v32;
	v60 =	vld.idx.msk [tilespmem:v39+s10+$0x0], $0xffff  }
0x4e: {  	s13 =	simm.s32 $0x280;
	v22 =	vld.idx.msk [tilespmem:v38+s10+$0x0], $0xffff;
	v62 =	vsub.f32 v61, v23  }
0x4f: {  	s11 =	simm.s32 $0x300;
	vm1 =	vcmask $0xB08;
	v23 =	vld.idx.msk [tilespmem:v41+s10+$0x0], $0xffff;
	v32 =	vsub.f32 v32, v40;
	[tilespmem:v35+s13+$0x0] =	vst.idx.msk $0x1, v42  }
0x50: {  	s12 =	simm.s32 $0x380;
	[tilespmem:v35+s11+$0x0] =	vst.idx.msk $0x1, v62  }
0x51: {  	[tilespmem:v35+s12+$0x0] =	vst.idx.msk $0x1, v32  }
0x52: {  	vm2 =	vcmask $0xF0C;
	[tilespmem:v35+s13+$0x0] =	vst.idx.msk vm0, v42  }
0x53: {  	[tilespmem:v35+s11+$0x0] =	vst.idx.msk vm0, v62  }
0x54: {  	[tilespmem:v35+s12+$0x0] =	vst.idx.msk vm0, v32  }
0x55: {  	vm3 =	vcmask $0x1310;
	[tilespmem:v35+s13+$0x0] =	vst.idx.msk vm1, v42  }
0x56: {  	[tilespmem:v35+s11+$0x0] =	vst.idx.msk vm1, v62  }
0x57: {  	[tilespmem:v35+s12+$0x0] =	vst.idx.msk vm1, v32  }
0x58: {  	vm4 =	vcmask $0x1714;
	[tilespmem:v35+s13+$0x0] =	vst.idx.msk vm2, v42  }
0x59: {  	[tilespmem:v35+s11+$0x0] =	vst.idx.msk vm2, v62  }
0x5a: {  	[tilespmem:v35+s12+$0x0] =	vst.idx.msk vm2, v32  }
0x5b: {  	vm5 =	vcmask $0x1B18;
	[tilespmem:v35+s13+$0x0] =	vst.idx.msk vm3, v42  }
0x5c: {  	[tilespmem:v35+s11+$0x0] =	vst.idx.msk vm3, v62  }
0x5d: {  	[tilespmem:v35+s12+$0x0] =	vst.idx.msk vm3, v32  }
0x5e: {  	vm6 =	vcmask $0x1F1C;
	[tilespmem:v35+s13+$0x0] =	vst.idx.msk vm4, v42  }
0x5f: {  	[tilespmem:v35+s11+$0x0] =	vst.idx.msk vm4, v62  }
0x60: {  	[tilespmem:v35+s12+$0x0] =	vst.idx.msk vm4, v32  }
0x61: {  	vm7 =	vcmask $0x2320;
	[tilespmem:v35+s13+$0x0] =	vst.idx.msk vm5, v42  }
0x62: {  	[tilespmem:v35+s11+$0x0] =	vst.idx.msk vm5, v62  }
0x63: {  	[tilespmem:v35+s12+$0x0] =	vst.idx.msk vm5, v32  }
0x64: {  	vm8 =	vcmask $0x2724;
	[tilespmem:v35+s13+$0x0] =	vst.idx.msk vm6, v42  }
0x65: {  	[tilespmem:v35+s11+$0x0] =	vst.idx.msk vm6, v62  }
0x66: {  	[tilespmem:v35+s12+$0x0] =	vst.idx.msk vm6, v32  }
0x67: {  	vm9 =	vcmask $0x2B28;
	[tilespmem:v35+s13+$0x0] =	vst.idx.msk vm7, v42  }
0x68: {  	[tilespmem:v35+s11+$0x0] =	vst.idx.msk vm7, v62  }
0x69: {  	[tilespmem:v35+s12+$0x0] =	vst.idx.msk vm7, v32  }
0x6a: {  	vm10 =	vcmask $0x2F2C;
	[tilespmem:v35+s13+$0x0] =	vst.idx.msk vm8, v42  }
0x6b: {  	[tilespmem:v35+s11+$0x0] =	vst.idx.msk vm8, v62  }
0x6c: {  	[tilespmem:v35+s12+$0x0] =	vst.idx.msk vm8, v32  }
0x6d: {  	vm11 =	vcmask $0x3330;
	[tilespmem:v35+s13+$0x0] =	vst.idx.msk vm9, v42  }
0x6e: {  	[tilespmem:v35+s11+$0x0] =	vst.idx.msk vm9, v62  }
0x6f: {  	[tilespmem:v35+s12+$0x0] =	vst.idx.msk vm9, v32  }
0x70: {  	vm13 =	vcmask $0x3734;
	[tilespmem:v35+s13+$0x0] =	vst.idx.msk vm10, v42  }
0x71: {  	[tilespmem:v35+s11+$0x0] =	vst.idx.msk vm10, v62  }
0x72: {  	[tilespmem:v35+s12+$0x0] =	vst.idx.msk vm10, v32  }
0x73: {  	vm14 =	vcmask $0x3B38;
	[tilespmem:v35+s13+$0x0] =	vst.idx.msk vm11, v42  }
0x74: {  	[tilespmem:v35+s11+$0x0] =	vst.idx.msk vm11, v62  }
0x75: {  	[tilespmem:v35+s12+$0x0] =	vst.idx.msk vm11, v32  }
0x76: {  	vm12 =	vcmask $0x3F3C;
	[tilespmem:v35+s13+$0x0] =	vst.idx.msk vm13, v42  }
0x77: {  	[tilespmem:v35+s11+$0x0] =	vst.idx.msk vm13, v62  }
0x78: {  	[tilespmem:v35+s12+$0x0] =	vst.idx.msk vm13, v32  }
0x79: {  	[tilespmem:v35+s13+$0x0] =	vst.idx.msk vm14, v42  }
0x7a: {  	[tilespmem:v35+s11+$0x0] =	vst.idx.msk vm14, v62  }
0x7b: {  	v36 =	vshra.s32 v36, $0x1;
	[tilespmem:v35+s12+$0x0] =	vst.idx.msk vm14, v32  }
0x7c: {  	v33 =	vshra.s32 v33, $0x1;
	v36 =	vcvt.s32.f32 v36;
	[tilespmem:v35+s13+$0x0] =	vst.idx.msk vm12, v42  }
0x7d: {  	v33 =	vcvt.s32.f32 v33;
	[tilespmem:v35+s11+$0x0] =	vst.idx.msk vm12, v62  }
0x7e: {  	v36 =	vsub.f32 v36, v37;
	[tilespmem:v35+s12+$0x0] =	vst.idx.msk vm12, v32  }
0x7f: {  	v63 =	vsub.f32 v33, v60;
	[tilespmem:v28+s13+$0x0] =	vst.idx.msk $0x1, v29  }
0x80: {  	[tilespmem:v28+s11+$0x0] =	vst.idx.msk $0x1, v36  }
0x81: {  	[tilespmem:v28+s12+$0x0] =	vst.idx.msk $0x1, v63  }
0x82: {  	[tilespmem:v28+s13+$0x0] =	vst.idx.msk vm0, v29  }
0x83: {  	[tilespmem:v28+s11+$0x0] =	vst.idx.msk vm0, v36  }
0x84: {  	[tilespmem:v28+s12+$0x0] =	vst.idx.msk vm0, v63  }
0x85: {  	[tilespmem:v28+s13+$0x0] =	vst.idx.msk vm1, v29  }
0x86: {  	[tilespmem:v28+s11+$0x0] =	vst.idx.msk vm1, v36  }
0x87: {  	[tilespmem:v28+s12+$0x0] =	vst.idx.msk vm1, v63  }
0x88: {  	[tilespmem:v28+s13+$0x0] =	vst.idx.msk vm2, v29  }
0x89: {  	[tilespmem:v28+s11+$0x0] =	vst.idx.msk vm2, v36  }
0x8a: {  	[tilespmem:v28+s12+$0x0] =	vst.idx.msk vm2, v63  }
0x8b: {  	[tilespmem:v28+s13+$0x0] =	vst.idx.msk vm3, v29  }
0x8c: {  	[tilespmem:v28+s11+$0x0] =	vst.idx.msk vm3, v36  }
0x8d: {  	[tilespmem:v28+s12+$0x0] =	vst.idx.msk vm3, v63  }
0x8e: {  	[tilespmem:v28+s13+$0x0] =	vst.idx.msk vm4, v29  }
0x8f: {  	[tilespmem:v28+s11+$0x0] =	vst.idx.msk vm4, v36  }
0x90: {  	[tilespmem:v28+s12+$0x0] =	vst.idx.msk vm4, v63  }
0x91: {  	[tilespmem:v28+s13+$0x0] =	vst.idx.msk vm5, v29  }
0x92: {  	[tilespmem:v28+s11+$0x0] =	vst.idx.msk vm5, v36  }
0x93: {  	[tilespmem:v28+s12+$0x0] =	vst.idx.msk vm5, v63  }
0x94: {  	[tilespmem:v28+s13+$0x0] =	vst.idx.msk vm6, v29  }
0x95: {  	[tilespmem:v28+s11+$0x0] =	vst.idx.msk vm6, v36  }
0x96: {  	[tilespmem:v28+s12+$0x0] =	vst.idx.msk vm6, v63  }
0x97: {  	[tilespmem:v28+s13+$0x0] =	vst.idx.msk vm7, v29  }
0x98: {  	[tilespmem:v28+s11+$0x0] =	vst.idx.msk vm7, v36  }
0x99: {  	[tilespmem:v28+s12+$0x0] =	vst.idx.msk vm7, v63  }
0x9a: {  	[tilespmem:v28+s13+$0x0] =	vst.idx.msk vm8, v29  }
0x9b: {  	[tilespmem:v28+s11+$0x0] =	vst.idx.msk vm8, v36  }
0x9c: {  	[tilespmem:v28+s12+$0x0] =	vst.idx.msk vm8, v63  }
0x9d: {  	[tilespmem:v28+s13+$0x0] =	vst.idx.msk vm9, v29  }
0x9e: {  	[tilespmem:v28+s11+$0x0] =	vst.idx.msk vm9, v36  }
0x9f: {  	[tilespmem:v28+s12+$0x0] =	vst.idx.msk vm9, v63  }
0xa0: {  	[tilespmem:v28+s13+$0x0] =	vst.idx.msk vm10, v29  }
0xa1: {  	[tilespmem:v28+s11+$0x0] =	vst.idx.msk vm10, v36  }
0xa2: {  	[tilespmem:v28+s12+$0x0] =	vst.idx.msk vm10, v63  }
0xa3: {  	[tilespmem:v28+s13+$0x0] =	vst.idx.msk vm11, v29  }
0xa4: {  	[tilespmem:v28+s11+$0x0] =	vst.idx.msk vm11, v36  }
0xa5: {  	[tilespmem:v28+s12+$0x0] =	vst.idx.msk vm11, v63  }
0xa6: {  	[tilespmem:v28+s13+$0x0] =	vst.idx.msk vm13, v29  }
0xa7: {  	[tilespmem:v28+s11+$0x0] =	vst.idx.msk vm13, v36  }
0xa8: {  	[tilespmem:v28+s12+$0x0] =	vst.idx.msk vm13, v63  }
0xa9: {  	[tilespmem:v28+s13+$0x0] =	vst.idx.msk vm14, v29  }
0xaa: {  	[tilespmem:v28+s11+$0x0] =	vst.idx.msk vm14, v36  }
0xab: {  	v27 =	vshra.s32 v27, $0x1;
	[tilespmem:v28+s12+$0x0] =	vst.idx.msk vm14, v63  }
0xac: {  	v26 =	vshra.s32 v26, $0x1;
	v27 =	vcvt.s32.f32 v27;
	[tilespmem:v28+s13+$0x0] =	vst.idx.msk vm12, v29  }
0xad: {  	v29 =	vcvt.s32.f32 v26;
	[tilespmem:v28+s11+$0x0] =	vst.idx.msk vm12, v36  }
0xae: {  	v26 =	vsub.f32 v27, v30;
	[tilespmem:v28+s12+$0x0] =	vst.idx.msk vm12, v63  }
0xaf: {  	v27 =	vsub.f32 v29, v59;
	[tilespmem:v18+s13+$0x0] =	vst.idx.msk $0x1, v21  }
0xb0: {  	[tilespmem:v18+s11+$0x0] =	vst.idx.msk $0x1, v26  }
0xb1: {  	[tilespmem:v18+s12+$0x0] =	vst.idx.msk $0x1, v27  }
0xb2: {  	[tilespmem:v18+s13+$0x0] =	vst.idx.msk vm0, v21  }
0xb3: {  	[tilespmem:v18+s11+$0x0] =	vst.idx.msk vm0, v26  }
0xb4: {  	[tilespmem:v18+s12+$0x0] =	vst.idx.msk vm0, v27  }
0xb5: {  	[tilespmem:v18+s13+$0x0] =	vst.idx.msk vm1, v21  }
0xb6: {  	[tilespmem:v18+s11+$0x0] =	vst.idx.msk vm1, v26  }
0xb7: {  	[tilespmem:v18+s12+$0x0] =	vst.idx.msk vm1, v27  }
0xb8: {  	[tilespmem:v18+s13+$0x0] =	vst.idx.msk vm2, v21  }
0xb9: {  	[tilespmem:v18+s11+$0x0] =	vst.idx.msk vm2, v26  }
0xba: {  	[tilespmem:v18+s12+$0x0] =	vst.idx.msk vm2, v27  }
0xbb: {  	[tilespmem:v18+s13+$0x0] =	vst.idx.msk vm3, v21  }
0xbc: {  	[tilespmem:v18+s11+$0x0] =	vst.idx.msk vm3, v26  }
0xbd: {  	[tilespmem:v18+s12+$0x0] =	vst.idx.msk vm3, v27  }
0xbe: {  	[tilespmem:v18+s13+$0x0] =	vst.idx.msk vm4, v21  }
0xbf: {  	[tilespmem:v18+s11+$0x0] =	vst.idx.msk vm4, v26  }
0xc0: {  	[tilespmem:v18+s12+$0x0] =	vst.idx.msk vm4, v27  }
0xc1: {  	s15 =	ssub.s32 $0x2, s15;
	[tilespmem:v18+s13+$0x0] =	vst.idx.msk vm5, v21  }
0xc2: {  	s16 =	sshrl.u32 s15, $0x1;
	[tilespmem:v18+s11+$0x0] =	vst.idx.msk vm5, v26  }
0xc3: {  	s15 =	ssub.s32 s15, s16;
	[tilespmem:v18+s12+$0x0] =	vst.idx.msk vm5, v27  }
0xc4: {  	s17 =	smax.u32 s15, $0x1;
	[tilespmem:v18+s13+$0x0] =	vst.idx.msk vm6, v21  }
0xc5: {  	p0 =	sne.s32 s17, $0x1;
	[tilespmem:v18+s11+$0x0] =	vst.idx.msk vm6, v26  }
.Ltmp1:
0xc6: {  	[tilespmem:v18+s12+$0x0] =	vst.idx.msk vm6, v27;
	(pc) =	sbr.rel @!p0 .LBB2_3-.Ltmp1, $4  }
0xc7: {  	[tilespmem:v18+s13+$0x0] =	vst.idx.msk vm7, v21  }
0xc8: {  	[tilespmem:v18+s11+$0x0] =	vst.idx.msk vm7, v26  }
0xc9: {  	s16 =	sadd.s32 $0x1C00, s14;
	[tilespmem:v18+s12+$0x0] =	vst.idx.msk vm7, v27  }
0xca: {  	s15 =	sadd.s32 $0x1E00, s14;
	s14 =	sadd.s32 $0x2000, s14;
	s17 =	sadd.s32 $0xFFFFFFFF, s17;
	v24 =	vshra.s32 v24, $0x1;
	v25 =	vshra.s32 v25, $0x1;
	[tilespmem:v18+s13+$0x0] =	vst.idx.msk vm8, v21  }
.LBB2_2:
0xcb: {  	p0 =	sne.s32 s17, $0x1;
	s17 =	sadd.s32 $0xFFFFFFFF, s17;
	[tilespmem:v18+s11+$0x0] =	vst.idx.msk vm8, v26  }
0xcc: {  	[tilespmem:v18+s12+$0x0] =	vst.idx.msk vm8, v27  }
0xcd: {  	[tilespmem:v18+s13+$0x0] =	vst.idx.msk vm9, v21  }
0xce: {  	[tilespmem:v18+s11+$0x0] =	vst.idx.msk vm9, v26  }
0xcf: {  	[tilespmem:v18+s12+$0x0] =	vst.idx.msk vm9, v27  }
0xd0: {  	[tilespmem:v18+s13+$0x0] =	vst.idx.msk vm10, v21  }
0xd1: {  	[tilespmem:v18+s11+$0x0] =	vst.idx.msk vm10, v26  }
0xd2: {  	[tilespmem:v18+s12+$0x0] =	vst.idx.msk vm10, v27  }
0xd3: {  	[tilespmem:v18+s13+$0x0] =	vst.idx.msk vm11, v21  }
0xd4: {  	[tilespmem:v18+s11+$0x0] =	vst.idx.msk vm11, v26  }
0xd5: {  	[tilespmem:v18+s12+$0x0] =	vst.idx.msk vm11, v27  }
0xd6: {  	[tilespmem:v18+s13+$0x0] =	vst.idx.msk vm13, v21  }
0xd7: {  	[tilespmem:v18+s11+$0x0] =	vst.idx.msk vm13, v26  }
0xd8: {  	[tilespmem:v18+s12+$0x0] =	vst.idx.msk vm13, v27  }
0xd9: {  	[tilespmem:v18+s13+$0x0] =	vst.idx.msk vm14, v21  }
0xda: {  	[tilespmem:v18+s11+$0x0] =	vst.idx.msk vm14, v26  }
0xdb: {  	[tilespmem:v18+s12+$0x0] =	vst.idx.msk vm14, v27  }
0xdc: {  	v25 =	vcvt.s32.f32 v25;
	[tilespmem:v18+s13+$0x0] =	vst.idx.msk vm12, v21  }
0xdd: {  	v21 =	vcvt.s32.f32 v24;
	[tilespmem:v18+s11+$0x0] =	vst.idx.msk vm12, v26  }
0xde: {  	v22 =	vsub.f32 v25, v22;
	[tilespmem:v18+s12+$0x0] =	vst.idx.msk vm12, v27  }
0xdf: {  	v18 =	vsub.f32 v21, v23;
	[tilespmem:v20+s13+$0x0] =	vst.idx.msk $0x1, v19  }
0xe0: {  	[tilespmem:v20+s11+$0x0] =	vst.idx.msk $0x1, v22  }
0xe1: {  	[tilespmem:v20+s12+$0x0] =	vst.idx.msk $0x1, v18  }
0xe2: {  	[tilespmem:v20+s13+$0x0] =	vst.idx.msk vm0, v19  }
0xe3: {  	[tilespmem:v20+s11+$0x0] =	vst.idx.msk vm0, v22  }
0xe4: {  	[tilespmem:v20+s12+$0x0] =	vst.idx.msk vm0, v18  }
0xe5: {  	[hbm4b:s16+s2] =	stream.linear.scatter [tilespmem:s13], [sflag:$0x1], $0x80, $0x38;
	[tilespmem:$0x400] =	vst v63  }
0xe6: {  	_ =	swait.ge [sflag:s3], $0x80  }
0xe7: {  	[sflag:s3] =	ssyncset.done $0x0  }
0xe8: {  	[sflag:s3] =	ssyncadd.s32 $0xFFFFFF80  }
0xe9: {  	[hbm4b:s15+s2] =	stream.linear.scatter [tilespmem:s11], [sflag:$0x1], $0x80, $0x38;
	[tilespmem:$0x400] =	vst v63  }
0xea: {  	_ =	swait.ge [sflag:s3], $0x80  }
0xeb: {  	[sflag:s3] =	ssyncset.done $0x0  }
0xec: {  	[sflag:s3] =	ssyncadd.s32 $0xFFFFFF80  }
0xed: {  	[hbm4b:s14+s2] =	stream.linear.scatter [tilespmem:s12], [sflag:$0x1], $0x80, $0x38;
	[tilespmem:$0x400] =	vst v63  }
0xee: {  	_ =	swait.ge [sflag:s3], $0x80  }
0xef: {  	[sflag:s3] =	ssyncset.done $0x0  }
0xf0: {  	[sflag:s3] =	ssyncadd.s32 $0xFFFFFF80  }
0xf1: {  	[tilespmem:s2], [sflag:$0x1] =	stream.strided.gather [hbm4b:s4+s5], $0x100, s6, s5, $0x38;
	[tilespmem:$0x400] =	vst v63  }
0xf2: {  	_ =	swait.ge [sflag:s3], $0x100  }
0xf3: {  	[sflag:s3] =	ssyncset.done $0x0  }
0xf4: {  	[sflag:s3] =	ssyncadd.s32 $0xFFFFFF00  }
0xf5: {  	[tilespmem:s8], [sflag:$0x1] =	stream.linear.gather [hbm4b:s7+s2], $0x80, $0x38;
	[tilespmem:$0x400] =	vst v63  }
0xf6: {  	_ =	swait.ge [sflag:s3], $0x80  }
0xf7: {  	[sflag:s3] =	ssyncset.done $0x0  }
0xf8: {  	[sflag:s3] =	ssyncadd.s32 $0xFFFFFF80  }
0xf9: {  	[tilespmem:s10], [sflag:$0x1] =	stream.linear.gather [hbm4b:s9+s2], $0x100, $0x38;
	[tilespmem:$0x400] =	vst v63  }
0xfa: {  	_ =	swait.ge [sflag:s3], $0x100  }
0xfb: {  	[sflag:s3] =	ssyncset.done $0x0  }
0xfc: {  	[sflag:s3] =	ssyncadd.s32 $0xFFFFFF00  }
0xfd: {  	[tilespmem:$0x3F0] =	vst v0  }
0xfe: {  	[tilespmem:$0x370] =	vst v0  }
0xff: {  	[tilespmem:$0x2F0] =	vst v1  }
0x100: {  	[tilespmem:$0x3E0] =	vst v0  }
0x101: {  	[tilespmem:$0x360] =	vst v0  }
0x102: {  	[tilespmem:$0x2E0] =	vst v1  }
0x103: {  	[tilespmem:$0x3D0] =	vst v0  }
0x104: {  	[tilespmem:$0x350] =	vst v0  }
0x105: {  	[tilespmem:$0x2D0] =	vst v1  }
0x106: {  	[tilespmem:$0x3C0] =	vst v0  }
0x107: {  	[tilespmem:$0x340] =	vst v0  }
0x108: {  	[tilespmem:$0x2C0] =	vst v1  }
0x109: {  	[tilespmem:$0x3B0] =	vst v0  }
0x10a: {  	[tilespmem:$0x330] =	vst v0  }
0x10b: {  	[tilespmem:$0x2B0] =	vst v1  }
0x10c: {  	[tilespmem:$0x3A0] =	vst v0  }
0x10d: {  	[tilespmem:$0x320] =	vst v0  }
0x10e: {  	[tilespmem:$0x2A0] =	vst v1  }
0x10f: {  	[tilespmem:$0x390] =	vst v0  }
0x110: {  	[tilespmem:$0x310] =	vst v0  }
0x111: {  	[tilespmem:$0x290] =	vst v1  }
0x112: {  	[tilespmem:$0x380] =	vst v0  }
0x113: {  	[tilespmem:$0x280] =	vst v1  }
0x114: {  	[tilespmem:$0x300] =	vst v0  }
0x115: {  	v18 =	vld.idx.msk [tilespmem:v3+s2+$0x0], $0xffff  }
0x116: {  	v19 =	vld.idx.msk [tilespmem:v4+s2+$0x0], $0xffff  }
0x117: {  	v20 =	vld.idx.msk [tilespmem:v5+s2+$0x0], $0xffff  }
0x118: {  	v21 =	vld.idx.msk [tilespmem:v6+s2+$0x0], $0xffff  }
0x119: {  	v22 =	vld.idx.msk [tilespmem:v7+s2+$0x0], $0xffff  }
0x11a: {  	v23 =	vld.idx.msk [tilespmem:v8+s2+$0x0], $0xffff  }
0x11b: {  	v24 =	vld.idx.msk [tilespmem:v9+s2+$0x0], $0xffff  }
0x11c: {  	v25 =	vld.idx.msk [tilespmem:v13+s2+$0x0], $0xffff  }
0x11d: {  	v27 =	vld.idx.msk [tilespmem:v2+s2+$0x0], $0xffff  }
0x11e: {  	v18 =	vadd.s32 v21, v18;
	v28 =	vld.idx.msk [tilespmem:v12+s2+$0x0], $0xffff  }
0x11f: {  	v20 =	vadd.s32 v22, v20;
	v26 =	vshra.s32 v18, $0x1;
	v21 =	vld.idx.msk [tilespmem:v11+s2+$0x0], $0xffff  }
0x120: {  	v32 =	vshra.s32 v20, $0x1;
	v20 =	vshra.s32 v20, $0x6;
	v22 =	vld.idx.msk [tilespmem:v10+s2+$0x0], $0xffff  }
0x121: {  	v20 =	vmul.u32 $0xA, v20  }
0x122: {  	v23 =	vadd.s32 v25, v23  }
0x123: {  	v33 =	vshra.s32 v23, $0x1;
	v23 =	vshra.s32 v23, $0x6  }
0x124: {  	v25 =	vadd.s32 v27, v28  }
0x125: {  	v29 =	vshra.s32 v25, $0x1;
	v19 =	vadd.s32 v21, v19;
	v21 =	vshra.s32 v25, $0x6  }
0x126: {  	v35 =	vshra.s32 v19, $0x1;
	v19 =	vshra.s32 v19, $0x6;
	v22 =	vadd.s32 v24, v22;
	v24 =	vld.idx.msk [tilespmem:v14+s2+$0x0], $0xffff  }
0x127: {  	v19 =	vmul.u32 $0xA, v19;
	v27 =	vshra.s32 v22, $0x1;
	v22 =	vshra.s32 v22, $0x6;
	v25 =	vld.idx.msk [tilespmem:v15+s2+$0x0], $0xffff  }
0x128: {  	v22 =	vmul.u32 $0xA, v22;
	v30 =	vld.idx.msk [tilespmem:v16+s2+$0x0], $0xffff  }
0x129: {  	v18 =	vshra.s32 v18, $0x6;
	v31 =	vld.idx.msk [tilespmem:v17+s2+$0x0], $0xffff  }
0x12a: {  	v18 =	vadd.s32 v18, v22  }
0x12b: {  	v28 =	vadd.s32 v23, v20;
	v20 =	vshll.u32 v18, $0x1  }
0x12c: {  	v23 =	vshll.u32 v28, $0x1;
	v34 =	vadd.s32 v21, v19;
	v22 =	vor.u32 $0x1, v20  }
0x12d: {  	v37 =	vor.u32 $0x1, v23;
	v36 =	vshll.u32 v34, $0x1;
	v19 =	vadd.s32 v25, v24  }
0x12e: {  	v38 =	vor.u32 $0x1, v36;
	v24 =	vshra.s32 v19, $0x1;
	v25 =	vshra.s32 v19, $0x6;
	v19 =	vld [tilespmem:$0x130]  }
0x12f: {  	v31 =	vadd.s32 v31, v30;
	v39 =	vmul.u32 $0xA, v25;
	v21 =	vld [tilespmem:$0x120]  }
0x130: {  	v40 =	vcvt.s32.f32 v29;
	v25 =	vshra.s32 v31, $0x1;
	v31 =	vshra.s32 v31, $0x6;
	v30 =	vld [tilespmem:$0x110]  }
0x131: {  	v29 =	vld.idx.msk [tilespmem:v20+s10+$0x0], $0xffff;
	v20 =	vadd.s32 v31, v39  }
0x132: {  	v36 =	vld.idx.msk [tilespmem:v36+s10+$0x0], $0xffff;
	v39 =	vshll.u32 v20, $0x1  }
0x133: {  	v38 =	vld.idx.msk [tilespmem:v38+s10+$0x0], $0xffff;
	v41 =	vor.u32 $0x1, v39  }
0x134: {  	v42 =	vld [tilespmem:$0x100]  }
0x135: {  	v31 =	vld.idx.msk [tilespmem:v22+s10+$0x0], $0xffff  }
0x136: {  	v37 =	vld.idx.msk [tilespmem:v37+s10+$0x0], $0xffff  }
0x137: {  	v35 =	vcvt.s32.f32 v35;
	v22 =	vld.idx.msk [tilespmem:v39+s10+$0x0], $0xffff  }
0x138: {  	v36 =	vsub.f32 v40, v36;
	v39 =	vld.idx.msk [tilespmem:v23+s10+$0x0], $0xffff  }
0x139: {  	v35 =	vsub.f32 v35, v38;
	v23 =	vld.idx.msk [tilespmem:v41+s10+$0x0], $0xffff  }
0x13a: {  	[tilespmem:v34+s13+$0x0] =	vst.idx.msk $0x1, v42  }
0x13b: {  	[tilespmem:v34+s11+$0x0] =	vst.idx.msk $0x1, v36  }
0x13c: {  	[tilespmem:v34+s12+$0x0] =	vst.idx.msk $0x1, v35  }
0x13d: {  	[tilespmem:v34+s13+$0x0] =	vst.idx.msk vm0, v42  }
0x13e: {  	[tilespmem:v34+s11+$0x0] =	vst.idx.msk vm0, v36  }
0x13f: {  	[tilespmem:v34+s12+$0x0] =	vst.idx.msk vm0, v35  }
0x140: {  	[tilespmem:v34+s13+$0x0] =	vst.idx.msk vm1, v42  }
0x141: {  	[tilespmem:v34+s11+$0x0] =	vst.idx.msk vm1, v36  }
0x142: {  	[tilespmem:v34+s12+$0x0] =	vst.idx.msk vm1, v35  }
0x143: {  	[tilespmem:v34+s13+$0x0] =	vst.idx.msk vm2, v42  }
0x144: {  	[tilespmem:v34+s11+$0x0] =	vst.idx.msk vm2, v36  }
0x145: {  	[tilespmem:v34+s12+$0x0] =	vst.idx.msk vm2, v35  }
0x146: {  	[tilespmem:v34+s13+$0x0] =	vst.idx.msk vm3, v42  }
0x147: {  	[tilespmem:v34+s11+$0x0] =	vst.idx.msk vm3, v36  }
0x148: {  	[tilespmem:v34+s12+$0x0] =	vst.idx.msk vm3, v35  }
0x149: {  	[tilespmem:v34+s13+$0x0] =	vst.idx.msk vm4, v42  }
0x14a: {  	[tilespmem:v34+s11+$0x0] =	vst.idx.msk vm4, v36  }
0x14b: {  	[tilespmem:v34+s12+$0x0] =	vst.idx.msk vm4, v35  }
0x14c: {  	[tilespmem:v34+s13+$0x0] =	vst.idx.msk vm5, v42  }
0x14d: {  	[tilespmem:v34+s11+$0x0] =	vst.idx.msk vm5, v36  }
0x14e: {  	[tilespmem:v34+s12+$0x0] =	vst.idx.msk vm5, v35  }
0x14f: {  	[tilespmem:v34+s13+$0x0] =	vst.idx.msk vm6, v42  }
0x150: {  	[tilespmem:v34+s11+$0x0] =	vst.idx.msk vm6, v36  }
0x151: {  	[tilespmem:v34+s12+$0x0] =	vst.idx.msk vm6, v35  }
0x152: {  	[tilespmem:v34+s13+$0x0] =	vst.idx.msk vm7, v42  }
0x153: {  	[tilespmem:v34+s11+$0x0] =	vst.idx.msk vm7, v36  }
0x154: {  	[tilespmem:v34+s12+$0x0] =	vst.idx.msk vm7, v35  }
0x155: {  	[tilespmem:v34+s13+$0x0] =	vst.idx.msk vm8, v42  }
0x156: {  	[tilespmem:v34+s11+$0x0] =	vst.idx.msk vm8, v36  }
0x157: {  	[tilespmem:v34+s12+$0x0] =	vst.idx.msk vm8, v35  }
0x158: {  	[tilespmem:v34+s13+$0x0] =	vst.idx.msk vm9, v42  }
0x159: {  	[tilespmem:v34+s11+$0x0] =	vst.idx.msk vm9, v36  }
0x15a: {  	[tilespmem:v34+s12+$0x0] =	vst.idx.msk vm9, v35  }
0x15b: {  	[tilespmem:v34+s13+$0x0] =	vst.idx.msk vm10, v42  }
0x15c: {  	[tilespmem:v34+s11+$0x0] =	vst.idx.msk vm10, v36  }
0x15d: {  	[tilespmem:v34+s12+$0x0] =	vst.idx.msk vm10, v35  }
0x15e: {  	[tilespmem:v34+s13+$0x0] =	vst.idx.msk vm11, v42  }
0x15f: {  	[tilespmem:v34+s11+$0x0] =	vst.idx.msk vm11, v36  }
0x160: {  	[tilespmem:v34+s12+$0x0] =	vst.idx.msk vm11, v35  }
0x161: {  	[tilespmem:v34+s13+$0x0] =	vst.idx.msk vm13, v42  }
0x162: {  	[tilespmem:v34+s11+$0x0] =	vst.idx.msk vm13, v36  }
0x163: {  	[tilespmem:v34+s12+$0x0] =	vst.idx.msk vm13, v35  }
0x164: {  	[tilespmem:v34+s13+$0x0] =	vst.idx.msk vm14, v42  }
0x165: {  	[tilespmem:v34+s11+$0x0] =	vst.idx.msk vm14, v36  }
0x166: {  	[tilespmem:v34+s12+$0x0] =	vst.idx.msk vm14, v35  }
0x167: {  	v33 =	vcvt.s32.f32 v33;
	[tilespmem:v34+s13+$0x0] =	vst.idx.msk vm12, v42  }
0x168: {  	v32 =	vcvt.s32.f32 v32;
	[tilespmem:v34+s11+$0x0] =	vst.idx.msk vm12, v36  }
0x169: {  	v33 =	vsub.f32 v33, v39;
	[tilespmem:v34+s12+$0x0] =	vst.idx.msk vm12, v35  }
0x16a: {  	v32 =	vsub.f32 v32, v37;
	[tilespmem:v28+s13+$0x0] =	vst.idx.msk $0x1, v30  }
0x16b: {  	[tilespmem:v28+s11+$0x0] =	vst.idx.msk $0x1, v33  }
0x16c: {  	[tilespmem:v28+s12+$0x0] =	vst.idx.msk $0x1, v32  }
0x16d: {  	[tilespmem:v28+s13+$0x0] =	vst.idx.msk vm0, v30  }
0x16e: {  	[tilespmem:v28+s11+$0x0] =	vst.idx.msk vm0, v33  }
0x16f: {  	[tilespmem:v28+s12+$0x0] =	vst.idx.msk vm0, v32  }
0x170: {  	[tilespmem:v28+s13+$0x0] =	vst.idx.msk vm1, v30  }
0x171: {  	[tilespmem:v28+s11+$0x0] =	vst.idx.msk vm1, v33  }
0x172: {  	[tilespmem:v28+s12+$0x0] =	vst.idx.msk vm1, v32  }
0x173: {  	[tilespmem:v28+s13+$0x0] =	vst.idx.msk vm2, v30  }
0x174: {  	[tilespmem:v28+s11+$0x0] =	vst.idx.msk vm2, v33  }
0x175: {  	[tilespmem:v28+s12+$0x0] =	vst.idx.msk vm2, v32  }
0x176: {  	[tilespmem:v28+s13+$0x0] =	vst.idx.msk vm3, v30  }
0x177: {  	[tilespmem:v28+s11+$0x0] =	vst.idx.msk vm3, v33  }
0x178: {  	[tilespmem:v28+s12+$0x0] =	vst.idx.msk vm3, v32  }
0x179: {  	[tilespmem:v28+s13+$0x0] =	vst.idx.msk vm4, v30  }
0x17a: {  	[tilespmem:v28+s11+$0x0] =	vst.idx.msk vm4, v33  }
0x17b: {  	[tilespmem:v28+s12+$0x0] =	vst.idx.msk vm4, v32  }
0x17c: {  	[tilespmem:v28+s13+$0x0] =	vst.idx.msk vm5, v30  }
0x17d: {  	[tilespmem:v28+s11+$0x0] =	vst.idx.msk vm5, v33  }
0x17e: {  	[tilespmem:v28+s12+$0x0] =	vst.idx.msk vm5, v32  }
0x17f: {  	[tilespmem:v28+s13+$0x0] =	vst.idx.msk vm6, v30  }
0x180: {  	[tilespmem:v28+s11+$0x0] =	vst.idx.msk vm6, v33  }
0x181: {  	[tilespmem:v28+s12+$0x0] =	vst.idx.msk vm6, v32  }
0x182: {  	[tilespmem:v28+s13+$0x0] =	vst.idx.msk vm7, v30  }
0x183: {  	[tilespmem:v28+s11+$0x0] =	vst.idx.msk vm7, v33  }
0x184: {  	[tilespmem:v28+s12+$0x0] =	vst.idx.msk vm7, v32  }
0x185: {  	[tilespmem:v28+s13+$0x0] =	vst.idx.msk vm8, v30  }
0x186: {  	[tilespmem:v28+s11+$0x0] =	vst.idx.msk vm8, v33  }
0x187: {  	[tilespmem:v28+s12+$0x0] =	vst.idx.msk vm8, v32  }
0x188: {  	[tilespmem:v28+s13+$0x0] =	vst.idx.msk vm9, v30  }
0x189: {  	[tilespmem:v28+s11+$0x0] =	vst.idx.msk vm9, v33  }
0x18a: {  	[tilespmem:v28+s12+$0x0] =	vst.idx.msk vm9, v32  }
0x18b: {  	[tilespmem:v28+s13+$0x0] =	vst.idx.msk vm10, v30  }
0x18c: {  	[tilespmem:v28+s11+$0x0] =	vst.idx.msk vm10, v33  }
0x18d: {  	[tilespmem:v28+s12+$0x0] =	vst.idx.msk vm10, v32  }
0x18e: {  	[tilespmem:v28+s13+$0x0] =	vst.idx.msk vm11, v30  }
0x18f: {  	[tilespmem:v28+s11+$0x0] =	vst.idx.msk vm11, v33  }
0x190: {  	[tilespmem:v28+s12+$0x0] =	vst.idx.msk vm11, v32  }
0x191: {  	[tilespmem:v28+s13+$0x0] =	vst.idx.msk vm13, v30  }
0x192: {  	[tilespmem:v28+s11+$0x0] =	vst.idx.msk vm13, v33  }
0x193: {  	[tilespmem:v28+s12+$0x0] =	vst.idx.msk vm13, v32  }
0x194: {  	[tilespmem:v28+s13+$0x0] =	vst.idx.msk vm14, v30  }
0x195: {  	[tilespmem:v28+s11+$0x0] =	vst.idx.msk vm14, v33  }
0x196: {  	[tilespmem:v28+s12+$0x0] =	vst.idx.msk vm14, v32  }
0x197: {  	v26 =	vcvt.s32.f32 v26;
	[tilespmem:v28+s13+$0x0] =	vst.idx.msk vm12, v30  }
0x198: {  	v27 =	vcvt.s32.f32 v27;
	[tilespmem:v28+s11+$0x0] =	vst.idx.msk vm12, v33  }
0x199: {  	v26 =	vsub.f32 v26, v29;
	[tilespmem:v28+s12+$0x0] =	vst.idx.msk vm12, v32  }
0x19a: {  	v27 =	vsub.f32 v27, v31;
	[tilespmem:v18+s13+$0x0] =	vst.idx.msk $0x1, v21  }
0x19b: {  	[tilespmem:v18+s11+$0x0] =	vst.idx.msk $0x1, v26  }
0x19c: {  	[tilespmem:v18+s12+$0x0] =	vst.idx.msk $0x1, v27  }
0x19d: {  	[tilespmem:v18+s13+$0x0] =	vst.idx.msk vm0, v21  }
0x19e: {  	[tilespmem:v18+s11+$0x0] =	vst.idx.msk vm0, v26  }
0x19f: {  	[tilespmem:v18+s12+$0x0] =	vst.idx.msk vm0, v27  }
0x1a0: {  	[tilespmem:v18+s13+$0x0] =	vst.idx.msk vm1, v21  }
0x1a1: {  	[tilespmem:v18+s11+$0x0] =	vst.idx.msk vm1, v26  }
0x1a2: {  	[tilespmem:v18+s12+$0x0] =	vst.idx.msk vm1, v27  }
0x1a3: {  	[tilespmem:v18+s13+$0x0] =	vst.idx.msk vm2, v21  }
0x1a4: {  	[tilespmem:v18+s11+$0x0] =	vst.idx.msk vm2, v26  }
0x1a5: {  	[tilespmem:v18+s12+$0x0] =	vst.idx.msk vm2, v27  }
0x1a6: {  	[tilespmem:v18+s13+$0x0] =	vst.idx.msk vm3, v21  }
0x1a7: {  	[tilespmem:v18+s11+$0x0] =	vst.idx.msk vm3, v26  }
0x1a8: {  	[tilespmem:v18+s12+$0x0] =	vst.idx.msk vm3, v27  }
0x1a9: {  	[tilespmem:v18+s13+$0x0] =	vst.idx.msk vm4, v21  }
0x1aa: {  	[tilespmem:v18+s11+$0x0] =	vst.idx.msk vm4, v26  }
0x1ab: {  	[tilespmem:v18+s12+$0x0] =	vst.idx.msk vm4, v27  }
0x1ac: {  	[tilespmem:v18+s13+$0x0] =	vst.idx.msk vm5, v21  }
0x1ad: {  	[tilespmem:v18+s11+$0x0] =	vst.idx.msk vm5, v26  }
0x1ae: {  	[tilespmem:v18+s12+$0x0] =	vst.idx.msk vm5, v27  }
0x1af: {  	[tilespmem:v18+s13+$0x0] =	vst.idx.msk vm6, v21  }
0x1b0: {  	[tilespmem:v18+s11+$0x0] =	vst.idx.msk vm6, v26  }
.Ltmp2:
0x1b1: {  	[tilespmem:v18+s12+$0x0] =	vst.idx.msk vm6, v27;
	(pc) =	sbr.rel @p0 .LBB2_2-.Ltmp2, $4  }
0x1b2: {  	[tilespmem:v18+s13+$0x0] =	vst.idx.msk vm7, v21  }
0x1b3: {  	[tilespmem:v18+s11+$0x0] =	vst.idx.msk vm7, v26  }
0x1b4: {  	[tilespmem:v18+s12+$0x0] =	vst.idx.msk vm7, v27  }
0x1b5: {  	[tilespmem:v18+s13+$0x0] =	vst.idx.msk vm8, v21  }
.LBB2_3:
0x1b6: {  	_ =	sdelay $0x4  }
0x1b7: {  	[tilespmem:v18+s11+$0x0] =	vst.idx.msk vm8, v26  }
0x1b8: {  	[tilespmem:v18+s12+$0x0] =	vst.idx.msk vm8, v27  }
0x1b9: {  	[tilespmem:v18+s13+$0x0] =	vst.idx.msk vm9, v21  }
0x1ba: {  	[tilespmem:v18+s11+$0x0] =	vst.idx.msk vm9, v26  }
0x1bb: {  	[tilespmem:v18+s12+$0x0] =	vst.idx.msk vm9, v27  }
0x1bc: {  	[tilespmem:v18+s13+$0x0] =	vst.idx.msk vm10, v21  }
0x1bd: {  	[tilespmem:v18+s11+$0x0] =	vst.idx.msk vm10, v26  }
0x1be: {  	[tilespmem:v18+s12+$0x0] =	vst.idx.msk vm10, v27  }
0x1bf: {  	[tilespmem:v18+s13+$0x0] =	vst.idx.msk vm11, v21  }
0x1c0: {  	[tilespmem:v18+s11+$0x0] =	vst.idx.msk vm11, v26  }
0x1c1: {  	[tilespmem:v18+s12+$0x0] =	vst.idx.msk vm11, v27  }
0x1c2: {  	[tilespmem:v18+s13+$0x0] =	vst.idx.msk vm13, v21  }
0x1c3: {  	[tilespmem:v18+s11+$0x0] =	vst.idx.msk vm13, v26  }
0x1c4: {  	[tilespmem:v18+s12+$0x0] =	vst.idx.msk vm13, v27  }
0x1c5: {  	[tilespmem:v18+s13+$0x0] =	vst.idx.msk vm14, v21  }
0x1c6: {  	[tilespmem:v18+s11+$0x0] =	vst.idx.msk vm14, v26  }
0x1c7: {  	[tilespmem:v18+s12+$0x0] =	vst.idx.msk vm14, v27  }
0x1c8: {  	v0 =	vcvt.s32.f32 v25;
	[tilespmem:v18+s13+$0x0] =	vst.idx.msk vm12, v21  }
0x1c9: {  	v1 =	vcvt.s32.f32 v24;
	[tilespmem:v18+s11+$0x0] =	vst.idx.msk vm12, v26  }
0x1ca: {  	v0 =	vsub.f32 v0, v22;
	[tilespmem:v18+s12+$0x0] =	vst.idx.msk vm12, v27  }
0x1cb: {  	v1 =	vsub.f32 v1, v23;
	[tilespmem:v20+s13+$0x0] =	vst.idx.msk $0x1, v19  }
0x1cc: {  	[tilespmem:v20+s11+$0x0] =	vst.idx.msk $0x1, v0  }
0x1cd: {  	[tilespmem:v20+s12+$0x0] =	vst.idx.msk $0x1, v1  }
0x1ce: {  	[tilespmem:v20+s13+$0x0] =	vst.idx.msk vm0, v19  }
0x1cf: {  	[tilespmem:v20+s11+$0x0] =	vst.idx.msk vm0, v0  }
0x1d0: {  	[tilespmem:v20+s12+$0x0] =	vst.idx.msk vm0, v1  }
0x1d1: {  	[hbm4b:s16+s2] =	stream.linear.scatter [tilespmem:s13], [sflag:$0x1], $0x80, $0x38;
	[tilespmem:$0x400] =	vst v63  }
0x1d2: {  	_ =	swait.ge [sflag:s3], $0x80  }
0x1d3: {  	[sflag:s3] =	ssyncset.done $0x0  }
0x1d4: {  	[sflag:s3] =	ssyncadd.s32 $0xFFFFFF80  }
0x1d5: {  	[hbm4b:s15+s2] =	stream.linear.scatter [tilespmem:s11], [sflag:$0x1], $0x80, $0x38;
	[tilespmem:$0x400] =	vst v63  }
0x1d6: {  	_ =	swait.ge [sflag:s3], $0x80  }
0x1d7: {  	[sflag:s3] =	ssyncset.done $0x0  }
0x1d8: {  	[sflag:s3] =	ssyncadd.s32 $0xFFFFFF80  }
0x1d9: {  	[hbm4b:s14+s2] =	stream.linear.scatter [tilespmem:s12], [sflag:$0x1], $0x80, $0x38;
	[tilespmem:$0x400] =	vst v63  }
0x1da: {  	_ =	swait.ge [sflag:s3], $0x80  }
0x1db: {  	[sflag:s3] =	ssyncset.done $0x0  }
0x1dc: {  	[sflag:s3] =	ssyncadd.s32 $0xFFFFFF80  }
.LBB2_4:
0x1dd: {  	_ =	sfence.sel $0x180000  }
0x1de: {  	[bflag:$0x0] =	sbarrier.arrive $0xFFFF  }
0x1df: {  	p0 =	sne.s32 s1, $0x0;
	_ =	strace $0x90000047  }
0x1e0: {  	s0 =	sadd.s32 @!p0 $0x100000, s0;
	[bflag:$0x2] =	sbarrier.arrive $0xFFFF  }
0x1e1: {  	[sflag:s0] =	ssyncadd.tile.s32 @!p0 $0x1;
	_ =	shalt  }
.Lfunc_end2:
_tile_overlayer_lowered:
.L_overlay_start_2:
0x1e2: {  	(tag) =	ssettag $0x2  }
0x1e3: {  	s0 =	rddreg [dreg:$0x0];
	s2 =	stileid.u32  }
0x1e4: {  	s1 =	rddreg [dreg:$0x1];
	p0 =	sne.s32 s2, $0x0  }
0x1e5: {  	s3 =	rddreg [dreg:$0x2];
	[bflag:$0x3] =	sbarrier.arrive $0xFFFF;
	s2 =	simm.s32 @!p0 $0x1C01  }
0x1e6: {  	[timem:s3], [sflag:s2] =	dma.local @!p0 [hbm:s0], s1  }
0x1e7: {  	s0 =	simm.s32 @!p0 $0x1  }
0x1e8: {  	_ =	swait.ge @!p0 [sflag:s0], s1  }
0x1e9: {  	s1 =	ssub.s32 @!p0 $0x0, s1;
	[sflag:s0] =	ssyncset.done @!p0 $0x0  }
0x1ea: {  	[sflag:s0] =	ssyncadd.s32 @!p0 s1  }
0x1eb: {  	[bflag:$0x3] =	sbarrier.arrive $0xFFFF  }
0x1ec: {  	_ =	shalt  }

</sc_bundles>
